<compile_context>
chip_gen: v7x
topology: tpu7x:2x2x1
jax: 0.10.2.dev20260603
libtpu: 0.0.44.dev20260713+nightly
codegen_flags: <defaults>
</compile_context>

<pallas_src>
import functools

import jax
import jax.numpy as jnp
from jax import lax
from jax.experimental import pallas as pl
from jax.experimental.pallas import tpu as pltpu
from jax.experimental.pallas import tpu_sc as plsc

N = 10000
E = 320000
D_IN = 128
D_HID = 128
D_OUT = 2

NC, NS = 2, 16
NW = NC * NS
NRP = 10008
NAP = 10016
CB = 2000
VPB = CB // 16
EPW = E // NW

_mesh = plsc.VectorSubcoreMesh(core_axis_name="c", subcore_axis_name="s")
_scparams = pltpu.CompilerParams(needs_layout_passes=False)


def _make_agg(F, split_edges, gather):
    TBL = NRP * F
    ACC = NAP * F
    nb = (EPW if split_edges else E) // CB
    scratch = [pltpu.VMEM((CB,), jnp.int32)]
    if gather:
        scratch += [pltpu.VMEM((CB,), jnp.int32), pltpu.VMEM((TBL,), jnp.float32)]
    scratch += [pltpu.VMEM((ACC,), jnp.float32)]

    @functools.partial(
        pl.kernel,
        out_type=jax.ShapeDtypeStruct((NW, ACC), jnp.float32),
        mesh=_mesh,
        compiler_params=_scparams,
        scratch_types=scratch,
    )
    def agg(*refs):
        if gather:
            y_hbm, row_hbm, col_hbm, out_hbm, cidx, ridx, ystage, acc = refs
        else:
            col_hbm, out_hbm, cidx, acc = refs
        cid = lax.axis_index("c")
        sid = lax.axis_index("s")
        wid = cid * NS + sid

        def zero(i, _):
            acc[pl.ds(i * 16, 16)] = jnp.zeros((16,), jnp.float32)
            return 0
        lax.fori_loop(0, ACC // 16, zero, 0)

        if gather:
            pltpu.sync_copy(y_hbm.at[0] if split_edges else y_hbm.at[wid], ystage)

        base0 = wid * EPW if split_edges else 0
        ones = jnp.ones((16,), jnp.float32)

        def batch(b, _):
            base = base0 + b * CB
            pltpu.sync_copy(col_hbm.at[pl.ds(base, CB)], cidx)
            if gather:
                pltpu.sync_copy(row_hbm.at[pl.ds(base, CB)], ridx)

            def vec(v, _):
                cvec = cidx[pl.ds(v * 16, 16)] * F
                if gather:
                    rvec = ridx[pl.ds(v * 16, 16)] * F
                    for f in range(F):
                        vals = plsc.load_gather(ystage, [rvec + f])
                        plsc.addupdate_scatter(acc, [cvec + f], vals)
                else:
                    plsc.addupdate_scatter(acc, [cvec], ones)
                return 0
            lax.fori_loop(0, VPB, vec, 0)
            return 0
        lax.fori_loop(0, nb, batch, 0)
        pltpu.sync_copy(acc, out_hbm.at[wid])

    return agg


_deg_kernel = _make_agg(1, split_edges=True, gather=False)
_agg_l1 = _make_agg(4, split_edges=False, gather=True)
_agg_l2 = _make_agg(2, split_edges=True, gather=True)


def _dis_from(degp_ref):
    deg = jnp.sum(degp_ref[...], axis=1, keepdims=True)[:N] + 1.0
    return lax.rsqrt(deg)


def _kb_body(degp_ref, x_ref, w1_ref, y1_ref):
    xw = jnp.dot(x_ref[...], w1_ref[...], preferred_element_type=jnp.float32)
    y1_ref[...] = xw * _dis_from(degp_ref)


def _kd_body(degp_ref, s1_ref, y1_ref, w2_ref, b1_ref, y2_ref):
    dis = _dis_from(degp_ref)
    h = jnp.maximum(dis * (s1_ref[...] + y1_ref[...]) + b1_ref[...], 0.0)
    y2_ref[...] = dis * jnp.dot(h, w2_ref[...], preferred_element_type=jnp.float32)


def _kf_body(degp_ref, s2_ref, y2_ref, sel_ref, b2_ref, out_ref):
    dis = _dis_from(degp_ref)
    s2 = jnp.dot(s2_ref[...], sel_ref[...], preferred_element_type=jnp.float32)
    out_ref[...] = dis * (s2 + y2_ref[...]) + b2_ref[...]


_kb = pl.pallas_call(_kb_body, out_shape=jax.ShapeDtypeStruct((N, D_HID), jnp.float32))
_kd = pl.pallas_call(_kd_body, out_shape=jax.ShapeDtypeStruct((N, D_OUT), jnp.float32))
_kf = pl.pallas_call(_kf_body, out_shape=jax.ShapeDtypeStruct((N, D_OUT), jnp.float32))


def kernel(x, edge_index, W1, b1, W2, b2):
    row = edge_index[0].astype(jnp.int32)
    col = edge_index[1].astype(jnp.int32)

    degp = _deg_kernel(col)
    degp_t = degp.T

    y1 = _kb(degp_t, x, W1)
    y1ch = (jnp.pad(y1, ((0, NRP - N), (0, 0)))
            .reshape(NRP, NW, 4).transpose(1, 0, 2).reshape(NW, NRP * 4))
    s1p = _agg_l1(y1ch, row, col)
    s1 = (s1p.reshape(NW, NAP, 4)[:, :N, :]
          .transpose(1, 0, 2).reshape(N, D_HID))

    y2 = _kd(degp_t, s1, y1, W2, b1.reshape(1, D_HID))
    y2ch = jnp.pad(y2, ((0, NRP - N), (0, 0))).reshape(1, NRP * D_OUT)
    s2p = _agg_l2(y2ch, row, col)
    s2in = (s2p.reshape(NW, NAP, D_OUT)[:, :N, :]
            .transpose(1, 0, 2).reshape(N, NW * D_OUT))

    sel = jnp.tile(jnp.eye(D_OUT, dtype=jnp.float32), (NW, 1))
    return _kf(degp_t, s2in, y2, sel, b2.reshape(1, D_OUT))

# --- scband reference (transcript-rebuilt; emitter-appended) ---
"""Pipeline reference for scband-gcn-42073499631701 (READ-ONLY COPY).

The authoritative reference and input builder live on the scoring server;
editing this copy changes nothing except your own understanding.
"""

import jax, jax.numpy as jnp
import numpy as np

N_NODES = 10000
N_EDGES = 320000
D_IN = 128
D_HID = 128
D_OUT = 2


def setup_inputs(seed: int = 0) -> dict:
    key = jax.random.key(seed)
    ks = jax.random.split(key, 6)
    x = jax.random.normal(ks[0], (N_NODES, D_IN), dtype=jnp.float32)
    edge_index = jax.random.randint(ks[1], (2, N_EDGES), 0, N_NODES, dtype=jnp.int64)
    W1 = jax.random.normal(ks[2], (D_IN, D_HID), dtype=jnp.float32) * (1.0 / np.sqrt(D_IN))
    b1 = jnp.zeros((D_HID,), dtype=jnp.float32)
    W2 = jax.random.normal(ks[3], (D_HID, D_OUT), dtype=jnp.float32) * (1.0 / np.sqrt(D_HID))
    b2 = jnp.zeros((D_OUT,), dtype=jnp.float32)
    return {"x": x, "edge_index": edge_index, "W1": W1, "b1": b1, "W2": W2, "b2": b2}


def _gcn_conv(x, edge_index, W, b):
    # Faithful to PyG GCNConv defaults: normalize=True, add_self_loops=True.
    N = x.shape[0]
    loops = jnp.arange(N, dtype=edge_index.dtype)
    row = jnp.concatenate([edge_index[0], loops])  # source nodes
    col = jnp.concatenate([edge_index[1], loops])  # destination nodes
    # Linear transform first (as in GCNConv.forward)
    xw = x @ W
    # Symmetric normalization D^{-1/2} A_hat D^{-1/2}
    ones = jnp.ones(row.shape[0], dtype=x.dtype)
    deg = jax.ops.segment_sum(ones, col, num_segments=N)
    deg_inv_sqrt = jnp.where(deg > 0, jax.lax.rsqrt(jnp.maximum(deg, 1e-12)), 0.0)
    norm = deg_inv_sqrt[row] * deg_inv_sqrt[col]
    # Message passing: gather from src, scale, scatter-add to dst
    msgs = xw[row] * norm[:, None]
    out = jax.ops.segment_sum(msgs, col, num_segments=N)
    return out + b


def reference(x, edge_index, W1, b1, W2, b2):
    h = _gcn_conv(x, edge_index, W1, b1)
    h = jax.nn.relu(h)
    return _gcn_conv(h, edge_index, W2, b2)

if __name__ == "__main__":
    import jax
    _d = setup_inputs()
    print(jax.jit(kernel)(*tuple(_d.values())))

</pallas_src>

<mosaic_0001>
#map = affine_map<(d0, d1) -> (0)>
#map1 = affine_map<(d0, d1) -> (0, 0)>
module attributes {stable_mosaic.version = 14 : i64} {
  func.func @agg(%arg0: i32, %arg1: i32, %arg2: memref<320000xi32, #tpu.memory_space<hbm>>, %arg3: memref<32x10016xf32, #tpu.memory_space<hbm>>, %arg4: memref<2000xi32, #tpu.memory_space<vmem>>, %arg5: memref<10016xf32, #tpu.memory_space<vmem>>) attributes {dimension_semantics = [#tpu.dimension_semantics<core_parallel>, #tpu.dimension_semantics<subcore_parallel>], iteration_bounds = array<i64: 2, 16>, scalar_prefetch = 0 : i64, scratch_operands = 2 : i64, tpu.core_type = #tpu.core_type<sc_vector_subcore>, window_params = [{transform_indices = #map}, {transform_indices = #map1}]} {
    %mul3A = arith.constant 16 : i32
    %mul3A_0 = arith.muli %arg0, %mul3A : i32
    %add3A = arith.addi %mul3A_0, %arg1 : i32
    %scan3A = arith.constant 0 : i32
    %scan3A_1 = arith.constant 0 : i32
    %scan3A_2 = arith.constant 626 : i32
    %scan3A_3 = arith.addi %scan3A_1, %scan3A_2 : i32
    %scan3A_4 = arith.constant 1 : i32
    %scan3A_5 = scf.for %scan3A_17 = %scan3A_1 to %scan3A_3 step %scan3A_4 iter_args(%scan3A_18 = %scan3A) -> (i32)  : i32 {
      %broadcast_in_dim3A_19 = arith.constant 0.000000e+00 : f32
      %broadcast_in_dim3A_20 = vector.broadcast %broadcast_in_dim3A_19 : f32 to vector<16xf32>
      %mul3A_21 = arith.constant 16 : i32
      %mul3A_22 = arith.muli %scan3A_17, %mul3A_21 : i32
      %swap3A = arith.index_cast %mul3A_22 : i32 to index
      %swap3A_23 = tpu.vector_load %arg5[%swap3A] {strides = array<i32>} : memref<10016xf32, #tpu.memory_space<vmem>>, vector<16xf32>,
      tpu.vector_store %arg5[%swap3A], %broadcast_in_dim3A_20 {strides = array<i32>} : memref<10016xf32, #tpu.memory_space<vmem>>, vector<16xf32>,
      %scan3A_24 = arith.constant 0 : i32
      scf.yield %scan3A_24 : i32
    }
    %scan3A_6 = arith.constant 626 : i32
    %mul3A_7 = arith.constant 10000 : i32
    %mul3A_8 = arith.muli %add3A, %mul3A_7 : i32
    %broadcast_in_dim3A = arith.constant 1.000000e+00 : f32
    %broadcast_in_dim3A_9 = vector.broadcast %broadcast_in_dim3A : f32 to vector<16xf32>
    %scan3A_10 = arith.constant 0 : i32
    %scan3A_11 = arith.constant 0 : i32
    %scan3A_12 = arith.constant 5 : i32
    %scan3A_13 = arith.addi %scan3A_11, %scan3A_12 : i32
    %scan3A_14 = arith.constant 1 : i32
    %scan3A_15 = scf.for %scan3A_17 = %scan3A_11 to %scan3A_13 step %scan3A_14 iter_args(%scan3A_18 = %scan3A_10) -> (i32)  : i32 {
      %mul3A_19 = arith.constant 2000 : i32
      %mul3A_20 = arith.muli %scan3A_17, %mul3A_19 : i32
      %add3A_21 = arith.addi %mul3A_8, %mul3A_20 : i32
      "tpu.region"() ({
        %run_scoped3A = tpu.sem_alloc : memref<!tpu.dma_semaphore, #tpu.memory_space<semaphore_mem>>
        %dma_start3A = tpu.memref_slice %arg2[%add3A_21] : memref<320000xi32, #tpu.memory_space<hbm>> -> memref<2000xi32, #tpu.memory_space<hbm>>
        %dma_start3A_30 = tpu.memref_slice %arg2[%add3A_21] : memref<320000xi32, #tpu.memory_space<hbm>> -> memref<2000xi32, #tpu.memory_space<hbm>>
        tpu.enqueue_dma source(%dma_start3A_30 : memref<2000xi32, #tpu.memory_space<hbm>>) target(%arg4 : memref<2000xi32, #tpu.memory_space<vmem>>) target_semaphore(%run_scoped3A : memref<!tpu.dma_semaphore, #tpu.memory_space<semaphore_mem>>)
        %dma_wait3A = tpu.memref_slice %arg2[%add3A_21] : memref<320000xi32, #tpu.memory_space<hbm>> -> memref<2000xi32, #tpu.memory_space<hbm>>
        %dma_wait3A_31 = tpu.memref_slice %arg2[%add3A_21] : memref<320000xi32, #tpu.memory_space<hbm>> -> memref<2000xi32, #tpu.memory_space<hbm>>
        tpu.wait_dma2 semaphore(%run_scoped3A : memref<!tpu.dma_semaphore, #tpu.memory_space<semaphore_mem>>) src(%dma_wait3A_31 : memref<2000xi32, #tpu.memory_space<hbm>>) dst(%arg4 : memref<2000xi32, #tpu.memory_space<vmem>>)
        tpu.yield
      }) : () -> ()
      %scan3A_22 = arith.constant 0 : i32
      %scan3A_23 = arith.constant 0 : i32
      %scan3A_24 = arith.constant 125 : i32
      %scan3A_25 = arith.addi %scan3A_23, %scan3A_24 : i32
      %scan3A_26 = arith.constant 1 : i32
      %scan3A_27 = scf.for %scan3A_30 = %scan3A_23 to %scan3A_25 step %scan3A_26 iter_args(%scan3A_31 = %scan3A_22) -> (i32)  : i32 {
        %mul3A_32 = arith.constant 16 : i32
        %mul3A_33 = arith.muli %scan3A_30, %mul3A_32 : i32
        %get3A = arith.index_cast %mul3A_33 : i32 to index
        %get3A_34 = tpu.vector_load %arg4[%get3A] {strides = array<i32>} : memref<2000xi32, #tpu.memory_space<vmem>>, vector<16xi32>,
        %mul3A_35 = arith.constant 1 : i32
        %mul3A_36 = vector.broadcast %mul3A_35 : i32 to vector<16xi32>
        %mul3A_37 = arith.muli %get3A_34, %mul3A_36 : vector<16xi32>
        tpu.vector_store_idx %arg5[%mul3A_37], %broadcast_in_dim3A_9 {add = true} : memref<10016xf32, #tpu.memory_space<vmem>>[vector<16xi32>], vector<16xf32>,
        %scan3A_38 = arith.constant 0 : i32
        scf.yield %scan3A_38 : i32
      }
      %scan3A_28 = arith.constant 125 : i32
      %scan3A_29 = arith.constant 0 : i32
      scf.yield %scan3A_29 : i32
    }
    %scan3A_16 = arith.constant 5 : i32
    "tpu.region"() ({
      %run_scoped3A = tpu.sem_alloc : memref<!tpu.dma_semaphore, #tpu.memory_space<semaphore_mem>>
      %dma_start3A = arith.constant 0 : i32
      %dma_start3A_17 = tpu.memref_slice %arg3[%add3A, %dma_start3A] : memref<32x10016xf32, #tpu.memory_space<hbm>> -> memref<1x10016xf32, #tpu.memory_space<hbm>>
      %dma_start3A_18 = tpu.memref_squeeze %dma_start3A_17 : memref<1x10016xf32, #tpu.memory_space<hbm>> -> memref<10016xf32, #tpu.memory_space<hbm>>
      %dma_start3A_19 = arith.constant 0 : i32
      %dma_start3A_20 = tpu.memref_slice %arg3[%add3A, %dma_start3A_19] : memref<32x10016xf32, #tpu.memory_space<hbm>> -> memref<1x10016xf32, #tpu.memory_space<hbm>>
      %dma_start3A_21 = tpu.memref_squeeze %dma_start3A_20 : memref<1x10016xf32, #tpu.memory_space<hbm>> -> memref<10016xf32, #tpu.memory_space<hbm>>
      tpu.enqueue_dma source(%arg5 : memref<10016xf32, #tpu.memory_space<vmem>>) target(%dma_start3A_21 : memref<10016xf32, #tpu.memory_space<hbm>>) target_semaphore(%run_scoped3A : memref<!tpu.dma_semaphore, #tpu.memory_space<semaphore_mem>>)
      %dma_wait3A = arith.constant 0 : i32
      %dma_wait3A_22 = tpu.memref_slice %arg3[%add3A, %dma_wait3A] : memref<32x10016xf32, #tpu.memory_space<hbm>> -> memref<1x10016xf32, #tpu.memory_space<hbm>>
      %dma_wait3A_23 = tpu.memref_squeeze %dma_wait3A_22 : memref<1x10016xf32, #tpu.memory_space<hbm>> -> memref<10016xf32, #tpu.memory_space<hbm>>
      %dma_wait3A_24 = arith.constant 0 : i32
      %dma_wait3A_25 = tpu.memref_slice %arg3[%add3A, %dma_wait3A_24] : memref<32x10016xf32, #tpu.memory_space<hbm>> -> memref<1x10016xf32, #tpu.memory_space<hbm>>
      %dma_wait3A_26 = tpu.memref_squeeze %dma_wait3A_25 : memref<1x10016xf32, #tpu.memory_space<hbm>> -> memref<10016xf32, #tpu.memory_space<hbm>>
      tpu.wait_dma2 semaphore(%run_scoped3A : memref<!tpu.dma_semaphore, #tpu.memory_space<semaphore_mem>>) src(%arg5 : memref<10016xf32, #tpu.memory_space<vmem>>) dst(%dma_wait3A_26 : memref<10016xf32, #tpu.memory_space<hbm>>)
      tpu.yield
    }) : () -> ()
    return
  }
}

#map = affine_map<(d0, d1) -> (0, 0)>
#map1 = affine_map<(d0, d1) -> (0)>
module attributes {stable_mosaic.version = 14 : i64} {
  func.func @agg(%arg0: i32, %arg1: i32, %arg2: memref<32x40032xf32, #tpu.memory_space<hbm>>, %arg3: memref<320000xi32, #tpu.memory_space<hbm>>, %arg4: memref<320000xi32, #tpu.memory_space<hbm>>, %arg5: memref<32x40064xf32, #tpu.memory_space<hbm>>, %arg6: memref<2000xi32, #tpu.memory_space<vmem>>, %arg7: memref<2000xi32, #tpu.memory_space<vmem>>, %arg8: memref<40032xf32, #tpu.memory_space<vmem>>, %arg9: memref<40064xf32, #tpu.memory_space<vmem>>) attributes {dimension_semantics = [#tpu.dimension_semantics<core_parallel>, #tpu.dimension_semantics<subcore_parallel>], iteration_bounds = array<i64: 2, 16>, scalar_prefetch = 0 : i64, scratch_operands = 4 : i64, tpu.core_type = #tpu.core_type<sc_vector_subcore>, window_params = [{transform_indices = #map}, {transform_indices = #map1}, {transform_indices = #map1}, {transform_indices = #map}]} {
    %mul3A = arith.constant 16 : i32
    %mul3A_0 = arith.muli %arg0, %mul3A : i32
    %add3A = arith.addi %mul3A_0, %arg1 : i32
    %scan3A = arith.constant 0 : i32
    %scan3A_1 = arith.constant 0 : i32
    %scan3A_2 = arith.constant 2504 : i32
    %scan3A_3 = arith.addi %scan3A_1, %scan3A_2 : i32
    %scan3A_4 = arith.constant 1 : i32
    %scan3A_5 = scf.for %scan3A_15 = %scan3A_1 to %scan3A_3 step %scan3A_4 iter_args(%scan3A_16 = %scan3A) -> (i32)  : i32 {
      %broadcast_in_dim3A_17 = arith.constant 0.000000e+00 : f32
      %broadcast_in_dim3A_18 = vector.broadcast %broadcast_in_dim3A_17 : f32 to vector<16xf32>
      %mul3A_19 = arith.constant 16 : i32
      %mul3A_20 = arith.muli %scan3A_15, %mul3A_19 : i32
      %swap3A = arith.index_cast %mul3A_20 : i32 to index
      %swap3A_21 = tpu.vector_load %arg9[%swap3A] {strides = array<i32>} : memref<40064xf32, #tpu.memory_space<vmem>>, vector<16xf32>,
      tpu.vector_store %arg9[%swap3A], %broadcast_in_dim3A_18 {strides = array<i32>} : memref<40064xf32, #tpu.memory_space<vmem>>, vector<16xf32>,
      %scan3A_22 = arith.constant 0 : i32
      scf.yield %scan3A_22 : i32
    }
    %scan3A_6 = arith.constant 2504 : i32
    "tpu.region"() ({
      %run_scoped3A = tpu.sem_alloc : memref<!tpu.dma_semaphore, #tpu.memory_space<semaphore_mem>>
      %dma_start3A = arith.constant 0 : i32
      %dma_start3A_15 = tpu.memref_slice %arg2[%add3A, %dma_start3A] : memref<32x40032xf32, #tpu.memory_space<hbm>> -> memref<1x40032xf32, #tpu.memory_space<hbm>>
      %dma_start3A_16 = tpu.memref_squeeze %dma_start3A_15 : memref<1x40032xf32, #tpu.memory_space<hbm>> -> memref<40032xf32, #tpu.memory_space<hbm>>
      %dma_start3A_17 = arith.constant 0 : i32
      %dma_start3A_18 = tpu.memref_slice %arg2[%add3A, %dma_start3A_17] : memref<32x40032xf32, #tpu.memory_space<hbm>> -> memref<1x40032xf32, #tpu.memory_space<hbm>>
      %dma_start3A_19 = tpu.memref_squeeze %dma_start3A_18 : memref<1x40032xf32, #tpu.memory_space<hbm>> -> memref<40032xf32, #tpu.memory_space<hbm>>
      tpu.enqueue_dma source(%dma_start3A_19 : memref<40032xf32, #tpu.memory_space<hbm>>) target(%arg8 : memref<40032xf32, #tpu.memory_space<vmem>>) target_semaphore(%run_scoped3A : memref<!tpu.dma_semaphore, #tpu.memory_space<semaphore_mem>>)
      %dma_wait3A = arith.constant 0 : i32
      %dma_wait3A_20 = tpu.memref_slice %arg2[%add3A, %dma_wait3A] : memref<32x40032xf32, #tpu.memory_space<hbm>> -> memref<1x40032xf32, #tpu.memory_space<hbm>>
      %dma_wait3A_21 = tpu.memref_squeeze %dma_wait3A_20 : memref<1x40032xf32, #tpu.memory_space<hbm>> -> memref<40032xf32, #tpu.memory_space<hbm>>
      %dma_wait3A_22 = arith.constant 0 : i32
      %dma_wait3A_23 = tpu.memref_slice %arg2[%add3A, %dma_wait3A_22] : memref<32x40032xf32, #tpu.memory_space<hbm>> -> memref<1x40032xf32, #tpu.memory_space<hbm>>
      %dma_wait3A_24 = tpu.memref_squeeze %dma_wait3A_23 : memref<1x40032xf32, #tpu.memory_space<hbm>> -> memref<40032xf32, #tpu.memory_space<hbm>>
      tpu.wait_dma2 semaphore(%run_scoped3A : memref<!tpu.dma_semaphore, #tpu.memory_space<semaphore_mem>>) src(%dma_wait3A_24 : memref<40032xf32, #tpu.memory_space<hbm>>) dst(%arg8 : memref<40032xf32, #tpu.memory_space<vmem>>)
      tpu.yield
    }) : () -> ()
    %broadcast_in_dim3A = arith.constant 1.000000e+00 : f32
    %broadcast_in_dim3A_7 = vector.broadcast %broadcast_in_dim3A : f32 to vector<16xf32>
    %scan3A_8 = arith.constant 0 : i32
    %scan3A_9 = arith.constant 0 : i32
    %scan3A_10 = arith.constant 160 : i32
    %scan3A_11 = arith.addi %scan3A_9, %scan3A_10 : i32
    %scan3A_12 = arith.constant 1 : i32
    %scan3A_13 = scf.for %scan3A_15 = %scan3A_9 to %scan3A_11 step %scan3A_12 iter_args(%scan3A_16 = %scan3A_8) -> (i32)  : i32 {
      %mul3A_17 = arith.constant 2000 : i32
      %mul3A_18 = arith.muli %scan3A_15, %mul3A_17 : i32
      %add3A_19 = arith.constant 0 : i32
      %add3A_20 = arith.addi %add3A_19, %mul3A_18 : i32
      "tpu.region"() ({
        %run_scoped3A = tpu.sem_alloc : memref<!tpu.dma_semaphore, #tpu.memory_space<semaphore_mem>>
        %dma_start3A = tpu.memref_slice %arg4[%add3A_20] : memref<320000xi32, #tpu.memory_space<hbm>> -> memref<2000xi32, #tpu.memory_space<hbm>>
        %dma_start3A_29 = tpu.memref_slice %arg4[%add3A_20] : memref<320000xi32, #tpu.memory_space<hbm>> -> memref<2000xi32, #tpu.memory_space<hbm>>
        tpu.enqueue_dma source(%dma_start3A_29 : memref<2000xi32, #tpu.memory_space<hbm>>) target(%arg6 : memref<2000xi32, #tpu.memory_space<vmem>>) target_semaphore(%run_scoped3A : memref<!tpu.dma_semaphore, #tpu.memory_space<semaphore_mem>>)
        %dma_wait3A = tpu.memref_slice %arg4[%add3A_20] : memref<320000xi32, #tpu.memory_space<hbm>> -> memref<2000xi32, #tpu.memory_space<hbm>>
        %dma_wait3A_30 = tpu.memref_slice %arg4[%add3A_20] : memref<320000xi32, #tpu.memory_space<hbm>> -> memref<2000xi32, #tpu.memory_space<hbm>>
        tpu.wait_dma2 semaphore(%run_scoped3A : memref<!tpu.dma_semaphore, #tpu.memory_space<semaphore_mem>>) src(%dma_wait3A_30 : memref<2000xi32, #tpu.memory_space<hbm>>) dst(%arg6 : memref<2000xi32, #tpu.memory_space<vmem>>)
        tpu.yield
      }) : () -> ()
      "tpu.region"() ({
        %run_scoped3A = tpu.sem_alloc : memref<!tpu.dma_semaphore, #tpu.memory_space<semaphore_mem>>
        %dma_start3A = tpu.memref_slice %arg3[%add3A_20] : memref<320000xi32, #tpu.memory_space<hbm>> -> memref<2000xi32, #tpu.memory_space<hbm>>
        %dma_start3A_29 = tpu.memref_slice %arg3[%add3A_20] : memref<320000xi32, #tpu.memory_space<hbm>> -> memref<2000xi32, #tpu.memory_space<hbm>>
        tpu.enqueue_dma source(%dma_start3A_29 : memref<2000xi32, #tpu.memory_space<hbm>>) target(%arg7 : memref<2000xi32, #tpu.memory_space<vmem>>) target_semaphore(%run_scoped3A : memref<!tpu.dma_semaphore, #tpu.memory_space<semaphore_mem>>)
        %dma_wait3A = tpu.memref_slice %arg3[%add3A_20] : memref<320000xi32, #tpu.memory_space<hbm>> -> memref<2000xi32, #tpu.memory_space<hbm>>
        %dma_wait3A_30 = tpu.memref_slice %arg3[%add3A_20] : memref<320000xi32, #tpu.memory_space<hbm>> -> memref<2000xi32, #tpu.memory_space<hbm>>
        tpu.wait_dma2 semaphore(%run_scoped3A : memref<!tpu.dma_semaphore, #tpu.memory_space<semaphore_mem>>) src(%dma_wait3A_30 : memref<2000xi32, #tpu.memory_space<hbm>>) dst(%arg7 : memref<2000xi32, #tpu.memory_space<vmem>>)
        tpu.yield
      }) : () -> ()
      %scan3A_21 = arith.constant 0 : i32
      %scan3A_22 = arith.constant 0 : i32
      %scan3A_23 = arith.constant 125 : i32
      %scan3A_24 = arith.addi %scan3A_22, %scan3A_23 : i32
      %scan3A_25 = arith.constant 1 : i32
      %scan3A_26 = scf.for %scan3A_29 = %scan3A_22 to %scan3A_24 step %scan3A_25 iter_args(%scan3A_30 = %scan3A_21) -> (i32)  : i32 {
        %mul3A_31 = arith.constant 16 : i32
        %mul3A_32 = arith.muli %scan3A_29, %mul3A_31 : i32
        %get3A = arith.index_cast %mul3A_32 : i32 to index
        %get3A_33 = tpu.vector_load %arg6[%get3A] {strides = array<i32>} : memref<2000xi32, #tpu.memory_space<vmem>>, vector<16xi32>,
        %mul3A_34 = arith.constant 4 : i32
        %mul3A_35 = vector.broadcast %mul3A_34 : i32 to vector<16xi32>
        %mul3A_36 = arith.muli %get3A_33, %mul3A_35 : vector<16xi32>
        %mul3A_37 = arith.constant 16 : i32
        %mul3A_38 = arith.muli %scan3A_29, %mul3A_37 : i32
        %get3A_39 = arith.index_cast %mul3A_38 : i32 to index
        %get3A_40 = tpu.vector_load %arg7[%get3A_39] {strides = array<i32>} : memref<2000xi32, #tpu.memory_space<vmem>>, vector<16xi32>,
        %mul3A_41 = arith.constant 4 : i32
        %mul3A_42 = vector.broadcast %mul3A_41 : i32 to vector<16xi32>
        %mul3A_43 = arith.muli %get3A_40, %mul3A_42 : vector<16xi32>
        %add3A_44 = arith.constant 0 : i32
        %add3A_45 = vector.broadcast %add3A_44 : i32 to vector<16xi32>
        %add3A_46 = arith.addi %mul3A_43, %add3A_45 : vector<16xi32>
        %gather3A = tpu.vector_load_idx %arg8[%add3A_46] : memref<40032xf32, #tpu.memory_space<vmem>>[vector<16xi32>], vector<16xf32>,
        %add3A_47 = arith.constant 0 : i32
        %add3A_48 = vector.broadcast %add3A_47 : i32 to vector<16xi32>
        %add3A_49 = arith.addi %mul3A_36, %add3A_48 : vector<16xi32>
        tpu.vector_store_idx %arg9[%add3A_49], %gather3A {add = true} : memref<40064xf32, #tpu.memory_space<vmem>>[vector<16xi32>], vector<16xf32>,
        %add3A_50 = arith.constant 1 : i32
        %add3A_51 = vector.broadcast %add3A_50 : i32 to vector<16xi32>
        %add3A_52 = arith.addi %mul3A_43, %add3A_51 : vector<16xi32>
        %gather3A_53 = tpu.vector_load_idx %arg8[%add3A_52] : memref<40032xf32, #tpu.memory_space<vmem>>[vector<16xi32>], vector<16xf32>,
        %add3A_54 = arith.constant 1 : i32
        %add3A_55 = vector.broadcast %add3A_54 : i32 to vector<16xi32>
        %add3A_56 = arith.addi %mul3A_36, %add3A_55 : vector<16xi32>
        tpu.vector_store_idx %arg9[%add3A_56], %gather3A_53 {add = true} : memref<40064xf32, #tpu.memory_space<vmem>>[vector<16xi32>], vector<16xf32>,
        %add3A_57 = arith.constant 2 : i32
        %add3A_58 = vector.broadcast %add3A_57 : i32 to vector<16xi32>
        %add3A_59 = arith.addi %mul3A_43, %add3A_58 : vector<16xi32>
        %gather3A_60 = tpu.vector_load_idx %arg8[%add3A_59] : memref<40032xf32, #tpu.memory_space<vmem>>[vector<16xi32>], vector<16xf32>,
        %add3A_61 = arith.constant 2 : i32
        %add3A_62 = vector.broadcast %add3A_61 : i32 to vector<16xi32>
        %add3A_63 = arith.addi %mul3A_36, %add3A_62 : vector<16xi32>
        tpu.vector_store_idx %arg9[%add3A_63], %gather3A_60 {add = true} : memref<40064xf32, #tpu.memory_space<vmem>>[vector<16xi32>], vector<16xf32>,
        %add3A_64 = arith.constant 3 : i32
        %add3A_65 = vector.broadcast %add3A_64 : i32 to vector<16xi32>
        %add3A_66 = arith.addi %mul3A_43, %add3A_65 : vector<16xi32>
        %gather3A_67 = tpu.vector_load_idx %arg8[%add3A_66] : memref<40032xf32, #tpu.memory_space<vmem>>[vector<16xi32>], vector<16xf32>,
        %add3A_68 = arith.constant 3 : i32
        %add3A_69 = vector.broadcast %add3A_68 : i32 to vector<16xi32>
        %add3A_70 = arith.addi %mul3A_36, %add3A_69 : vector<16xi32>
        tpu.vector_store_idx %arg9[%add3A_70], %gather3A_67 {add = true} : memref<40064xf32, #tpu.memory_space<vmem>>[vector<16xi32>], vector<16xf32>,
        %scan3A_71 = arith.constant 0 : i32
        scf.yield %scan3A_71 : i32
      }
      %scan3A_27 = arith.constant 125 : i32
      %scan3A_28 = arith.constant 0 : i32
      scf.yield %scan3A_28 : i32
    }
    %scan3A_14 = arith.constant 160 : i32
    "tpu.region"() ({
      %run_scoped3A = tpu.sem_alloc : memref<!tpu.dma_semaphore, #tpu.memory_space<semaphore_mem>>
      %dma_start3A = arith.constant 0 : i32
      %dma_start3A_15 = tpu.memref_slice %arg5[%add3A, %dma_start3A] : memref<32x40064xf32, #tpu.memory_space<hbm>> -> memref<1x40064xf32, #tpu.memory_space<hbm>>
      %dma_start3A_16 = tpu.memref_squeeze %dma_start3A_15 : memref<1x40064xf32, #tpu.memory_space<hbm>> -> memref<40064xf32, #tpu.memory_space<hbm>>
      %dma_start3A_17 = arith.constant 0 : i32
      %dma_start3A_18 = tpu.memref_slice %arg5[%add3A, %dma_start3A_17] : memref<32x40064xf32, #tpu.memory_space<hbm>> -> memref<1x40064xf32, #tpu.memory_space<hbm>>
      %dma_start3A_19 = tpu.memref_squeeze %dma_start3A_18 : memref<1x40064xf32, #tpu.memory_space<hbm>> -> memref<40064xf32, #tpu.memory_space<hbm>>
      tpu.enqueue_dma source(%arg9 : memref<40064xf32, #tpu.memory_space<vmem>>) target(%dma_start3A_19 : memref<40064xf32, #tpu.memory_space<hbm>>) target_semaphore(%run_scoped3A : memref<!tpu.dma_semaphore, #tpu.memory_space<semaphore_mem>>)
      %dma_wait3A = arith.constant 0 : i32
      %dma_wait3A_20 = tpu.memref_slice %arg5[%add3A, %dma_wait3A] : memref<32x40064xf32, #tpu.memory_space<hbm>> -> memref<1x40064xf32, #tpu.memory_space<hbm>>
      %dma_wait3A_21 = tpu.memref_squeeze %dma_wait3A_20 : memref<1x40064xf32, #tpu.memory_space<hbm>> -> memref<40064xf32, #tpu.memory_space<hbm>>
      %dma_wait3A_22 = arith.constant 0 : i32
      %dma_wait3A_23 = tpu.memref_slice %arg5[%add3A, %dma_wait3A_22] : memref<32x40064xf32, #tpu.memory_space<hbm>> -> memref<1x40064xf32, #tpu.memory_space<hbm>>
      %dma_wait3A_24 = tpu.memref_squeeze %dma_wait3A_23 : memref<1x40064xf32, #tpu.memory_space<hbm>> -> memref<40064xf32, #tpu.memory_space<hbm>>
      tpu.wait_dma2 semaphore(%run_scoped3A : memref<!tpu.dma_semaphore, #tpu.memory_space<semaphore_mem>>) src(%arg9 : memref<40064xf32, #tpu.memory_space<vmem>>) dst(%dma_wait3A_24 : memref<40064xf32, #tpu.memory_space<hbm>>)
      tpu.yield
    }) : () -> ()
    return
  }
}

#map = affine_map<(d0, d1) -> (0, 0)>
#map1 = affine_map<(d0, d1) -> (0)>
module attributes {stable_mosaic.version = 14 : i64} {
  func.func @agg(%arg0: i32, %arg1: i32, %arg2: memref<1x20016xf32, #tpu.memory_space<hbm>>, %arg3: memref<320000xi32, #tpu.memory_space<hbm>>, %arg4: memref<320000xi32, #tpu.memory_space<hbm>>, %arg5: memref<32x20032xf32, #tpu.memory_space<hbm>>, %arg6: memref<2000xi32, #tpu.memory_space<vmem>>, %arg7: memref<2000xi32, #tpu.memory_space<vmem>>, %arg8: memref<20016xf32, #tpu.memory_space<vmem>>, %arg9: memref<20032xf32, #tpu.memory_space<vmem>>) attributes {dimension_semantics = [#tpu.dimension_semantics<core_parallel>, #tpu.dimension_semantics<subcore_parallel>], iteration_bounds = array<i64: 2, 16>, scalar_prefetch = 0 : i64, scratch_operands = 4 : i64, tpu.core_type = #tpu.core_type<sc_vector_subcore>, window_params = [{transform_indices = #map}, {transform_indices = #map1}, {transform_indices = #map1}, {transform_indices = #map}]} {
    %mul3A = arith.constant 16 : i32
    %mul3A_0 = arith.muli %arg0, %mul3A : i32
    %add3A = arith.addi %mul3A_0, %arg1 : i32
    %scan3A = arith.constant 0 : i32
    %scan3A_1 = arith.constant 0 : i32
    %scan3A_2 = arith.constant 1252 : i32
    %scan3A_3 = arith.addi %scan3A_1, %scan3A_2 : i32
    %scan3A_4 = arith.constant 1 : i32
    %scan3A_5 = scf.for %scan3A_17 = %scan3A_1 to %scan3A_3 step %scan3A_4 iter_args(%scan3A_18 = %scan3A) -> (i32)  : i32 {
      %broadcast_in_dim3A_19 = arith.constant 0.000000e+00 : f32
      %broadcast_in_dim3A_20 = vector.broadcast %broadcast_in_dim3A_19 : f32 to vector<16xf32>
      %mul3A_21 = arith.constant 16 : i32
      %mul3A_22 = arith.muli %scan3A_17, %mul3A_21 : i32
      %swap3A = arith.index_cast %mul3A_22 : i32 to index
      %swap3A_23 = tpu.vector_load %arg9[%swap3A] {strides = array<i32>} : memref<20032xf32, #tpu.memory_space<vmem>>, vector<16xf32>,
      tpu.vector_store %arg9[%swap3A], %broadcast_in_dim3A_20 {strides = array<i32>} : memref<20032xf32, #tpu.memory_space<vmem>>, vector<16xf32>,
      %scan3A_24 = arith.constant 0 : i32
      scf.yield %scan3A_24 : i32
    }
    %scan3A_6 = arith.constant 1252 : i32
    %run_scoped3A = arith.constant 0 : i32
    "tpu.region"() ({
      %run_scoped3A_17 = tpu.sem_alloc : memref<!tpu.dma_semaphore, #tpu.memory_space<semaphore_mem>>
      %dma_start3A = arith.constant 0 : i32
      %dma_start3A_18 = tpu.memref_slice %arg2[%run_scoped3A, %dma_start3A] : memref<1x20016xf32, #tpu.memory_space<hbm>> -> memref<1x20016xf32, #tpu.memory_space<hbm>>
      %dma_start3A_19 = tpu.memref_squeeze %dma_start3A_18 : memref<1x20016xf32, #tpu.memory_space<hbm>> -> memref<20016xf32, #tpu.memory_space<hbm>>
      %dma_start3A_20 = arith.constant 0 : i32
      %dma_start3A_21 = tpu.memref_slice %arg2[%run_scoped3A, %dma_start3A_20] : memref<1x20016xf32, #tpu.memory_space<hbm>> -> memref<1x20016xf32, #tpu.memory_space<hbm>>
      %dma_start3A_22 = tpu.memref_squeeze %dma_start3A_21 : memref<1x20016xf32, #tpu.memory_space<hbm>> -> memref<20016xf32, #tpu.memory_space<hbm>>
      tpu.enqueue_dma source(%dma_start3A_22 : memref<20016xf32, #tpu.memory_space<hbm>>) target(%arg8 : memref<20016xf32, #tpu.memory_space<vmem>>) target_semaphore(%run_scoped3A_17 : memref<!tpu.dma_semaphore, #tpu.memory_space<semaphore_mem>>)
      %dma_wait3A = arith.constant 0 : i32
      %dma_wait3A_23 = tpu.memref_slice %arg2[%run_scoped3A, %dma_wait3A] : memref<1x20016xf32, #tpu.memory_space<hbm>> -> memref<1x20016xf32, #tpu.memory_space<hbm>>
      %dma_wait3A_24 = tpu.memref_squeeze %dma_wait3A_23 : memref<1x20016xf32, #tpu.memory_space<hbm>> -> memref<20016xf32, #tpu.memory_space<hbm>>
      %dma_wait3A_25 = arith.constant 0 : i32
      %dma_wait3A_26 = tpu.memref_slice %arg2[%run_scoped3A, %dma_wait3A_25] : memref<1x20016xf32, #tpu.memory_space<hbm>> -> memref<1x20016xf32, #tpu.memory_space<hbm>>
      %dma_wait3A_27 = tpu.memref_squeeze %dma_wait3A_26 : memref<1x20016xf32, #tpu.memory_space<hbm>> -> memref<20016xf32, #tpu.memory_space<hbm>>
      tpu.wait_dma2 semaphore(%run_scoped3A_17 : memref<!tpu.dma_semaphore, #tpu.memory_space<semaphore_mem>>) src(%dma_wait3A_27 : memref<20016xf32, #tpu.memory_space<hbm>>) dst(%arg8 : memref<20016xf32, #tpu.memory_space<vmem>>)
      tpu.yield
    }) : () -> ()
    %mul3A_7 = arith.constant 10000 : i32
    %mul3A_8 = arith.muli %add3A, %mul3A_7 : i32
    %broadcast_in_dim3A = arith.constant 1.000000e+00 : f32
    %broadcast_in_dim3A_9 = vector.broadcast %broadcast_in_dim3A : f32 to vector<16xf32>
    %scan3A_10 = arith.constant 0 : i32
    %scan3A_11 = arith.constant 0 : i32
    %scan3A_12 = arith.constant 5 : i32
    %scan3A_13 = arith.addi %scan3A_11, %scan3A_12 : i32
    %scan3A_14 = arith.constant 1 : i32
    %scan3A_15 = scf.for %scan3A_17 = %scan3A_11 to %scan3A_13 step %scan3A_14 iter_args(%scan3A_18 = %scan3A_10) -> (i32)  : i32 {
      %mul3A_19 = arith.constant 2000 : i32
      %mul3A_20 = arith.muli %scan3A_17, %mul3A_19 : i32
      %add3A_21 = arith.addi %mul3A_8, %mul3A_20 : i32
      "tpu.region"() ({
        %run_scoped3A_30 = tpu.sem_alloc : memref<!tpu.dma_semaphore, #tpu.memory_space<semaphore_mem>>
        %dma_start3A = tpu.memref_slice %arg4[%add3A_21] : memref<320000xi32, #tpu.memory_space<hbm>> -> memref<2000xi32, #tpu.memory_space<hbm>>
        %dma_start3A_31 = tpu.memref_slice %arg4[%add3A_21] : memref<320000xi32, #tpu.memory_space<hbm>> -> memref<2000xi32, #tpu.memory_space<hbm>>
        tpu.enqueue_dma source(%dma_start3A_31 : memref<2000xi32, #tpu.memory_space<hbm>>) target(%arg6 : memref<2000xi32, #tpu.memory_space<vmem>>) target_semaphore(%run_scoped3A_30 : memref<!tpu.dma_semaphore, #tpu.memory_space<semaphore_mem>>)
        %dma_wait3A = tpu.memref_slice %arg4[%add3A_21] : memref<320000xi32, #tpu.memory_space<hbm>> -> memref<2000xi32, #tpu.memory_space<hbm>>
        %dma_wait3A_32 = tpu.memref_slice %arg4[%add3A_21] : memref<320000xi32, #tpu.memory_space<hbm>> -> memref<2000xi32, #tpu.memory_space<hbm>>
        tpu.wait_dma2 semaphore(%run_scoped3A_30 : memref<!tpu.dma_semaphore, #tpu.memory_space<semaphore_mem>>) src(%dma_wait3A_32 : memref<2000xi32, #tpu.memory_space<hbm>>) dst(%arg6 : memref<2000xi32, #tpu.memory_space<vmem>>)
        tpu.yield
      }) : () -> ()
      "tpu.region"() ({
        %run_scoped3A_30 = tpu.sem_alloc : memref<!tpu.dma_semaphore, #tpu.memory_space<semaphore_mem>>
        %dma_start3A = tpu.memref_slice %arg3[%add3A_21] : memref<320000xi32, #tpu.memory_space<hbm>> -> memref<2000xi32, #tpu.memory_space<hbm>>
        %dma_start3A_31 = tpu.memref_slice %arg3[%add3A_21] : memref<320000xi32, #tpu.memory_space<hbm>> -> memref<2000xi32, #tpu.memory_space<hbm>>
        tpu.enqueue_dma source(%dma_start3A_31 : memref<2000xi32, #tpu.memory_space<hbm>>) target(%arg7 : memref<2000xi32, #tpu.memory_space<vmem>>) target_semaphore(%run_scoped3A_30 : memref<!tpu.dma_semaphore, #tpu.memory_space<semaphore_mem>>)
        %dma_wait3A = tpu.memref_slice %arg3[%add3A_21] : memref<320000xi32, #tpu.memory_space<hbm>> -> memref<2000xi32, #tpu.memory_space<hbm>>
        %dma_wait3A_32 = tpu.memref_slice %arg3[%add3A_21] : memref<320000xi32, #tpu.memory_space<hbm>> -> memref<2000xi32, #tpu.memory_space<hbm>>
        tpu.wait_dma2 semaphore(%run_scoped3A_30 : memref<!tpu.dma_semaphore, #tpu.memory_space<semaphore_mem>>) src(%dma_wait3A_32 : memref<2000xi32, #tpu.memory_space<hbm>>) dst(%arg7 : memref<2000xi32, #tpu.memory_space<vmem>>)
        tpu.yield
      }) : () -> ()
      %scan3A_22 = arith.constant 0 : i32
      %scan3A_23 = arith.constant 0 : i32
      %scan3A_24 = arith.constant 125 : i32
      %scan3A_25 = arith.addi %scan3A_23, %scan3A_24 : i32
      %scan3A_26 = arith.constant 1 : i32
      %scan3A_27 = scf.for %scan3A_30 = %scan3A_23 to %scan3A_25 step %scan3A_26 iter_args(%scan3A_31 = %scan3A_22) -> (i32)  : i32 {
        %mul3A_32 = arith.constant 16 : i32
        %mul3A_33 = arith.muli %scan3A_30, %mul3A_32 : i32
        %get3A = arith.index_cast %mul3A_33 : i32 to index
        %get3A_34 = tpu.vector_load %arg6[%get3A] {strides = array<i32>} : memref<2000xi32, #tpu.memory_space<vmem>>, vector<16xi32>,
        %mul3A_35 = arith.constant 2 : i32
        %mul3A_36 = vector.broadcast %mul3A_35 : i32 to vector<16xi32>
        %mul3A_37 = arith.muli %get3A_34, %mul3A_36 : vector<16xi32>
        %mul3A_38 = arith.constant 16 : i32
        %mul3A_39 = arith.muli %scan3A_30, %mul3A_38 : i32
        %get3A_40 = arith.index_cast %mul3A_39 : i32 to index
        %get3A_41 = tpu.vector_load %arg7[%get3A_40] {strides = array<i32>} : memref<2000xi32, #tpu.memory_space<vmem>>, vector<16xi32>,
        %mul3A_42 = arith.constant 2 : i32
        %mul3A_43 = vector.broadcast %mul3A_42 : i32 to vector<16xi32>
        %mul3A_44 = arith.muli %get3A_41, %mul3A_43 : vector<16xi32>
        %add3A_45 = arith.constant 0 : i32
        %add3A_46 = vector.broadcast %add3A_45 : i32 to vector<16xi32>
        %add3A_47 = arith.addi %mul3A_44, %add3A_46 : vector<16xi32>
        %gather3A = tpu.vector_load_idx %arg8[%add3A_47] : memref<20016xf32, #tpu.memory_space<vmem>>[vector<16xi32>], vector<16xf32>,
        %add3A_48 = arith.constant 0 : i32
        %add3A_49 = vector.broadcast %add3A_48 : i32 to vector<16xi32>
        %add3A_50 = arith.addi %mul3A_37, %add3A_49 : vector<16xi32>
        tpu.vector_store_idx %arg9[%add3A_50], %gather3A {add = true} : memref<20032xf32, #tpu.memory_space<vmem>>[vector<16xi32>], vector<16xf32>,
        %add3A_51 = arith.constant 1 : i32
        %add3A_52 = vector.broadcast %add3A_51 : i32 to vector<16xi32>
        %add3A_53 = arith.addi %mul3A_44, %add3A_52 : vector<16xi32>
        %gather3A_54 = tpu.vector_load_idx %arg8[%add3A_53] : memref<20016xf32, #tpu.memory_space<vmem>>[vector<16xi32>], vector<16xf32>,
        %add3A_55 = arith.constant 1 : i32
        %add3A_56 = vector.broadcast %add3A_55 : i32 to vector<16xi32>
        %add3A_57 = arith.addi %mul3A_37, %add3A_56 : vector<16xi32>
        tpu.vector_store_idx %arg9[%add3A_57], %gather3A_54 {add = true} : memref<20032xf32, #tpu.memory_space<vmem>>[vector<16xi32>], vector<16xf32>,
        %scan3A_58 = arith.constant 0 : i32
        scf.yield %scan3A_58 : i32
      }
      %scan3A_28 = arith.constant 125 : i32
      %scan3A_29 = arith.constant 0 : i32
      scf.yield %scan3A_29 : i32
    }
    %scan3A_16 = arith.constant 5 : i32
    "tpu.region"() ({
      %run_scoped3A_17 = tpu.sem_alloc : memref<!tpu.dma_semaphore, #tpu.memory_space<semaphore_mem>>
      %dma_start3A = arith.constant 0 : i32
      %dma_start3A_18 = tpu.memref_slice %arg5[%add3A, %dma_start3A] : memref<32x20032xf32, #tpu.memory_space<hbm>> -> memref<1x20032xf32, #tpu.memory_space<hbm>>
      %dma_start3A_19 = tpu.memref_squeeze %dma_start3A_18 : memref<1x20032xf32, #tpu.memory_space<hbm>> -> memref<20032xf32, #tpu.memory_space<hbm>>
      %dma_start3A_20 = arith.constant 0 : i32
      %dma_start3A_21 = tpu.memref_slice %arg5[%add3A, %dma_start3A_20] : memref<32x20032xf32, #tpu.memory_space<hbm>> -> memref<1x20032xf32, #tpu.memory_space<hbm>>
      %dma_start3A_22 = tpu.memref_squeeze %dma_start3A_21 : memref<1x20032xf32, #tpu.memory_space<hbm>> -> memref<20032xf32, #tpu.memory_space<hbm>>
      tpu.enqueue_dma source(%arg9 : memref<20032xf32, #tpu.memory_space<vmem>>) target(%dma_start3A_22 : memref<20032xf32, #tpu.memory_space<hbm>>) target_semaphore(%run_scoped3A_17 : memref<!tpu.dma_semaphore, #tpu.memory_space<semaphore_mem>>)
      %dma_wait3A = arith.constant 0 : i32
      %dma_wait3A_23 = tpu.memref_slice %arg5[%add3A, %dma_wait3A] : memref<32x20032xf32, #tpu.memory_space<hbm>> -> memref<1x20032xf32, #tpu.memory_space<hbm>>
      %dma_wait3A_24 = tpu.memref_squeeze %dma_wait3A_23 : memref<1x20032xf32, #tpu.memory_space<hbm>> -> memref<20032xf32, #tpu.memory_space<hbm>>
      %dma_wait3A_25 = arith.constant 0 : i32
      %dma_wait3A_26 = tpu.memref_slice %arg5[%add3A, %dma_wait3A_25] : memref<32x20032xf32, #tpu.memory_space<hbm>> -> memref<1x20032xf32, #tpu.memory_space<hbm>>
      %dma_wait3A_27 = tpu.memref_squeeze %dma_wait3A_26 : memref<1x20032xf32, #tpu.memory_space<hbm>> -> memref<20032xf32, #tpu.memory_space<hbm>>
      tpu.wait_dma2 semaphore(%run_scoped3A_17 : memref<!tpu.dma_semaphore, #tpu.memory_space<semaphore_mem>>) src(%arg9 : memref<20032xf32, #tpu.memory_space<vmem>>) dst(%dma_wait3A_27 : memref<20032xf32, #tpu.memory_space<hbm>>)
      tpu.yield
    }) : () -> ()
    return
  }
}

module attributes {stable_mosaic.version = 14 : i64} {
  func.func @_kb_body(%arg0: memref<10016x32xf32, #tpu.memory_space<vmem>>, %arg1: memref<10000x128xf32, #tpu.memory_space<vmem>>, %arg2: memref<128x128xf32, #tpu.memory_space<vmem>>, %arg3: memref<10000x128xf32, #tpu.memory_space<vmem>>) attributes {dimension_semantics = [], scalar_prefetch = 0 : i64, scratch_operands = 0 : i64, tpu.core_type = #tpu.core_type<tc>} {
    %get3A = arith.constant 0 : index
    %get3A_0 = arith.constant 0 : index
    %get3A_1 = vector.load %arg1[%get3A, %get3A_0] : memref<10000x128xf32, #tpu.memory_space<vmem>>, vector<10000x128xf32>
    %get3A_2 = arith.constant 0 : index
    %get3A_3 = arith.constant 0 : index
    %get3A_4 = vector.load %arg2[%get3A_2, %get3A_3] : memref<128x128xf32, #tpu.memory_space<vmem>>, vector<128x128xf32>
    %dot_general3A = arith.constant dense<0.000000e+00> : vector<10000x128xf32>
    %dot_general3A_5 = tpu.matmul %get3A_1, %get3A_4, %dot_general3A {dimension_numbers = #tpu.dot_dimension_numbers<[1], [0], [0], [1], [0, 0, 1, 1], [], []>, transpose_lhs_hint = false} : vector<10000x128xf32>, vector<128x128xf32>, vector<10000x128xf32> -> vector<10000x128xf32>
    %get3A_6 = arith.constant 0 : index
    %get3A_7 = arith.constant 0 : index
    %get3A_8 = vector.load %arg0[%get3A_6, %get3A_7] : memref<10016x32xf32, #tpu.memory_space<vmem>>, vector<10016x32xf32>
    %reduce_sum3A = arith.constant dense<0.000000e+00> : vector<10016xf32>
    %reduce_sum3A_9 = vector.multi_reduction <add>, %get3A_8, %reduce_sum3A [1] : vector<10016x32xf32> to vector<10016xf32>
    %broadcast_in_dim3A = vector.shape_cast %reduce_sum3A_9 : vector<10016xf32> to vector<10016x1xf32>
    %slice3A = vector.extract_strided_slice %broadcast_in_dim3A {offsets = [0, 0], sizes = [10000, 1], strides = [1, 1]} : vector<10016x1xf32> to vector<10000x1xf32>
    %add3A = arith.constant 1.000000e+00 : f32
    %add3A_10 = vector.broadcast %add3A : f32 to vector<10000x1xf32>
    %add3A_11 = arith.addf %slice3A, %add3A_10 : vector<10000x1xf32>
    %rsqrt3A = math.rsqrt %add3A_11 : vector<10000x1xf32>
    %mul3A = vector.broadcast %rsqrt3A : vector<10000x1xf32> to vector<10000x128xf32>
    %mul3A_12 = arith.mulf %dot_general3A_5, %mul3A : vector<10000x128xf32>
    %swap3A = arith.constant 0 : index
    %swap3A_13 = arith.constant 0 : index
    %swap3A_14 = vector.load %arg3[%swap3A, %swap3A_13] : memref<10000x128xf32, #tpu.memory_space<vmem>>, vector<10000x128xf32>
    tpu.vector_store %arg3[%swap3A, %swap3A_13], %mul3A_12 {strides = array<i32>} : memref<10000x128xf32, #tpu.memory_space<vmem>>, vector<10000x128xf32>,
    return
  }
}

module attributes {stable_mosaic.version = 14 : i64} {
  func.func @_kd_body(%arg0: memref<10016x32xf32, #tpu.memory_space<vmem>>, %arg1: memref<10000x128xf32, #tpu.memory_space<vmem>>, %arg2: memref<10000x128xf32, #tpu.memory_space<vmem>>, %arg3: memref<128x2xf32, #tpu.memory_space<vmem>>, %arg4: memref<1x128xf32, #tpu.memory_space<vmem>>, %arg5: memref<10000x2xf32, #tpu.memory_space<vmem>>) attributes {dimension_semantics = [], scalar_prefetch = 0 : i64, scratch_operands = 0 : i64, tpu.core_type = #tpu.core_type<tc>} {
    %get3A = arith.constant 0 : index
    %get3A_0 = arith.constant 0 : index
    %get3A_1 = vector.load %arg0[%get3A, %get3A_0] : memref<10016x32xf32, #tpu.memory_space<vmem>>, vector<10016x32xf32>
    %reduce_sum3A = arith.constant dense<0.000000e+00> : vector<10016xf32>
    %reduce_sum3A_2 = vector.multi_reduction <add>, %get3A_1, %reduce_sum3A [1] : vector<10016x32xf32> to vector<10016xf32>
    %broadcast_in_dim3A = vector.shape_cast %reduce_sum3A_2 : vector<10016xf32> to vector<10016x1xf32>
    %slice3A = vector.extract_strided_slice %broadcast_in_dim3A {offsets = [0, 0], sizes = [10000, 1], strides = [1, 1]} : vector<10016x1xf32> to vector<10000x1xf32>
    %add3A = arith.constant 1.000000e+00 : f32
    %add3A_3 = vector.broadcast %add3A : f32 to vector<10000x1xf32>
    %add3A_4 = arith.addf %slice3A, %add3A_3 : vector<10000x1xf32>
    %rsqrt3A = math.rsqrt %add3A_4 : vector<10000x1xf32>
    %get3A_5 = arith.constant 0 : index
    %get3A_6 = arith.constant 0 : index
    %get3A_7 = vector.load %arg1[%get3A_5, %get3A_6] : memref<10000x128xf32, #tpu.memory_space<vmem>>, vector<10000x128xf32>
    %get3A_8 = arith.constant 0 : index
    %get3A_9 = arith.constant 0 : index
    %get3A_10 = vector.load %arg2[%get3A_8, %get3A_9] : memref<10000x128xf32, #tpu.memory_space<vmem>>, vector<10000x128xf32>
    %add3A_11 = arith.addf %get3A_7, %get3A_10 : vector<10000x128xf32>
    %mul3A = vector.broadcast %rsqrt3A : vector<10000x1xf32> to vector<10000x128xf32>
    %mul3A_12 = arith.mulf %mul3A, %add3A_11 : vector<10000x128xf32>
    %get3A_13 = arith.constant 0 : index
    %get3A_14 = arith.constant 0 : index
    %get3A_15 = vector.load %arg4[%get3A_13, %get3A_14] : memref<1x128xf32, #tpu.memory_space<vmem>>, vector<1x128xf32>
    %add3A_16 = vector.broadcast %get3A_15 : vector<1x128xf32> to vector<10000x128xf32>
    %add3A_17 = arith.addf %mul3A_12, %add3A_16 : vector<10000x128xf32>
    %max3A = arith.constant 0.000000e+00 : f32
    %max3A_18 = vector.broadcast %max3A : f32 to vector<10000x128xf32>
    %max3A_19 = arith.maximumf %add3A_17, %max3A_18 : vector<10000x128xf32>
    %get3A_20 = arith.constant 0 : index
    %get3A_21 = arith.constant 0 : index
    %get3A_22 = vector.load %arg3[%get3A_20, %get3A_21] : memref<128x2xf32, #tpu.memory_space<vmem>>, vector<128x2xf32>
    %dot_general3A = arith.constant dense<0.000000e+00> : vector<10000x2xf32>
    %dot_general3A_23 = tpu.matmul %max3A_19, %get3A_22, %dot_general3A {dimension_numbers = #tpu.dot_dimension_numbers<[1], [0], [0], [1], [0, 0, 1, 1], [], []>, transpose_lhs_hint = false} : vector<10000x128xf32>, vector<128x2xf32>, vector<10000x2xf32> -> vector<10000x2xf32>
    %mul3A_24 = vector.broadcast %rsqrt3A : vector<10000x1xf32> to vector<10000x2xf32>
    %mul3A_25 = arith.mulf %mul3A_24, %dot_general3A_23 : vector<10000x2xf32>
    %swap3A = arith.constant 0 : index
    %swap3A_26 = arith.constant 0 : index
    %swap3A_27 = vector.load %arg5[%swap3A, %swap3A_26] : memref<10000x2xf32, #tpu.memory_space<vmem>>, vector<10000x2xf32>
    tpu.vector_store %arg5[%swap3A, %swap3A_26], %mul3A_25 {strides = array<i32>} : memref<10000x2xf32, #tpu.memory_space<vmem>>, vector<10000x2xf32>,
    return
  }
}

module attributes {stable_mosaic.version = 14 : i64} {
  func.func @_kf_body(%arg0: memref<10016x32xf32, #tpu.memory_space<vmem>>, %arg1: memref<10000x64xf32, #tpu.memory_space<vmem>>, %arg2: memref<10000x2xf32, #tpu.memory_space<vmem>>, %arg3: memref<64x2xf32, #tpu.memory_space<vmem>>, %arg4: memref<1x2xf32, #tpu.memory_space<vmem>>, %arg5: memref<10000x2xf32, #tpu.memory_space<vmem>>) attributes {dimension_semantics = [], scalar_prefetch = 0 : i64, scratch_operands = 0 : i64, tpu.core_type = #tpu.core_type<tc>} {
    %get3A = arith.constant 0 : index
    %get3A_0 = arith.constant 0 : index
    %get3A_1 = vector.load %arg0[%get3A, %get3A_0] : memref<10016x32xf32, #tpu.memory_space<vmem>>, vector<10016x32xf32>
    %reduce_sum3A = arith.constant dense<0.000000e+00> : vector<10016xf32>
    %reduce_sum3A_2 = vector.multi_reduction <add>, %get3A_1, %reduce_sum3A [1] : vector<10016x32xf32> to vector<10016xf32>
    %broadcast_in_dim3A = vector.shape_cast %reduce_sum3A_2 : vector<10016xf32> to vector<10016x1xf32>
    %slice3A = vector.extract_strided_slice %broadcast_in_dim3A {offsets = [0, 0], sizes = [10000, 1], strides = [1, 1]} : vector<10016x1xf32> to vector<10000x1xf32>
    %add3A = arith.constant 1.000000e+00 : f32
    %add3A_3 = vector.broadcast %add3A : f32 to vector<10000x1xf32>
    %add3A_4 = arith.addf %slice3A, %add3A_3 : vector<10000x1xf32>
    %rsqrt3A = math.rsqrt %add3A_4 : vector<10000x1xf32>
    %get3A_5 = arith.constant 0 : index
    %get3A_6 = arith.constant 0 : index
    %get3A_7 = vector.load %arg1[%get3A_5, %get3A_6] : memref<10000x64xf32, #tpu.memory_space<vmem>>, vector<10000x64xf32>
    %get3A_8 = arith.constant 0 : index
    %get3A_9 = arith.constant 0 : index
    %get3A_10 = vector.load %arg3[%get3A_8, %get3A_9] : memref<64x2xf32, #tpu.memory_space<vmem>>, vector<64x2xf32>
    %dot_general3A = arith.constant dense<0.000000e+00> : vector<10000x2xf32>
    %dot_general3A_11 = tpu.matmul %get3A_7, %get3A_10, %dot_general3A {dimension_numbers = #tpu.dot_dimension_numbers<[1], [0], [0], [1], [0, 0, 1, 1], [], []>, transpose_lhs_hint = false} : vector<10000x64xf32>, vector<64x2xf32>, vector<10000x2xf32> -> vector<10000x2xf32>
    %get3A_12 = arith.constant 0 : index
    %get3A_13 = arith.constant 0 : index
    %get3A_14 = vector.load %arg2[%get3A_12, %get3A_13] : memref<10000x2xf32, #tpu.memory_space<vmem>>, vector<10000x2xf32>
    %add3A_15 = arith.addf %dot_general3A_11, %get3A_14 : vector<10000x2xf32>
    %mul3A = vector.broadcast %rsqrt3A : vector<10000x1xf32> to vector<10000x2xf32>
    %mul3A_16 = arith.mulf %mul3A, %add3A_15 : vector<10000x2xf32>
    %get3A_17 = arith.constant 0 : index
    %get3A_18 = arith.constant 0 : index
    %get3A_19 = vector.load %arg4[%get3A_17, %get3A_18] : memref<1x2xf32, #tpu.memory_space<vmem>>, vector<1x2xf32>
    %add3A_20 = vector.broadcast %get3A_19 : vector<1x2xf32> to vector<10000x2xf32>
    %add3A_21 = arith.addf %mul3A_16, %add3A_20 : vector<10000x2xf32>
    %swap3A = arith.constant 0 : index
    %swap3A_22 = arith.constant 0 : index
    %swap3A_23 = vector.load %arg5[%swap3A, %swap3A_22] : memref<10000x2xf32, #tpu.memory_space<vmem>>, vector<10000x2xf32>
    tpu.vector_store %arg5[%swap3A, %swap3A_22], %add3A_21 {strides = array<i32>} : memref<10000x2xf32, #tpu.memory_space<vmem>>, vector<10000x2xf32>,
    return
  }
}

</mosaic_0001>

<sc_bundles>
// kernel: kernel.11.cloned.1.call-start
scs
__scs_entry_jumppad:
0x0: {  	(pc) =	sbr.rel $0x88, $3  }
0x1: {  	(tag) =	ssettag $0x0;
	lr =	simm.s32 $0x1  }
0x2: {  	[smem:$0x3F9B] =	sst lr;
	_ =	strace $0xD0000000  }
0x3: {  	_ = 	snop  }
0x4: {  	_ = 	snop  }
0x5: {  	_ = 	snop  }
0x6: {  	_ = 	snop  }
0x7: {  	_ = 	snop  }
__scs_overlays_trampoline_lowered:
0x8: {  	[smem:$0x3FAA] =	sst s0  }
0x9: {  	[smem:$0x3FAB] =	sst s1  }
0xa: {  	[smem:$0x3FAC] =	sst s2  }
0xb: {  	[smem:$0x3FAD] =	sst s3  }
0xc: {  	[smem:$0x3FAE] =	sst s4  }
0xd: {  	[smem:$0x3FAF] =	sst s5  }
0xe: {  	[smem:$0x3FB0] =	sst s6  }
0xf: {  	[smem:$0x3FB1] =	sst s7  }
0x10: {  	[smem:$0x3FB2] =	sst s8  }
0x11: {  	[smem:$0x3FB3] =	sst s9;
	s0 =	simm.s32 @!p0 $0x0  }
0x12: {  	s1 =	sld [smem:$0x3F99];
	s0 =	simm.s32 @p0 $0x1  }
0x13: {  	[smem:$0x3FB4] =	sst s0;
	s0 =	simm.s32 @!p1 $0x0  }
0x14: {  	s2 =	sld [smem:$0x3F98];
	s0 =	simm.s32 @p1 $0x1  }
0x15: {  	[smem:$0x3FB5] =	sst s0;
	s0 =	simm.s32 @!p2 $0x0  }
0x16: {  	s3 =	sld [smem:$0x3FDB];
	s0 =	simm.s32 @p2 $0x1  }
0x17: {  	s4 =	simm.s32 $0x1BF5;
	[smem:$0x3FB7] =	sst s0  }
0x18: {  	s0 =	sld [smem:$0x3F9A];
	_ =	swait.ge [sflag:s4], $0x0  }
0x19: {  	s7 =	sld [smem:$0x3F9B]  }
0x1a: {  	s8 =	sadd.s32 $0xFFFFE003, lr  }
0x1b: {  	s9 =	sadd.s32 $0xFFFFFEF7, lr;
	s5 =	simm.s32 $0xFFFFFFFF;
	p2 =	slt.u32 s8, $0xFFFFF086  }
0x1c: {  	p1 =	slt.u32 s9, $0xF7A;
	s5 =	simm.s32 @!p2 $0x0  }
0x1d: {  	s5 =	simm.s32 @p1 $0x1;
	p0 =	seq.s32 s7, s2  }
0x1e: {  	s7 =	smul.u32 @!p0 $0xF7A, s2;
	p2 =	seq.s32 @!p0 s5, $0x0  }
0x1f: {  	s9 =	smul.u32 $0xF7A, s1;
	s8 =	simm.s32 @!p0 $0x1BF5;
	p2 =	por !p2, p0  }
0x20: {  	[sflag:s8] =	ssyncset.s32 @!p0 $0xFFFFF086;
	s6 =	sadd.s32 @!p0 s3, s7;
	s7 =	simm.s32 @!p0 $0x108  }
0x21: {  	s3 =	sadd.s32 s3, s9;
	s6 =	sadd.s32 @!p0 $0x88, s6;
	s7 =	simm.s32 @p2 $0x1082  }
0x22: {  	[simem:s7], [sflag:s8] =	dma.local @!p0 [hbm:s6], $0xF7A  }
0x23: {  	s9 =	sor.u32 $0xD0000000, s2;
	s6 =	simm.s32 $0x108;
	_ =	swait.ge @!p0 [sflag:s8], $0x0  }
0x24: {  	s3 =	sadd.s32 $0x88, s3;
	s6 =	simm.s32 @!p1 $0x1082;
	[sflag:s4] =	ssyncset.s32 $0xFFFFF086  }
0x25: {  	[simem:s6], [sflag:s4] =	dma.local [hbm:s3], $0xF7A  }
0x26: {  	[smem:$0x3F9B] =	sst s1;
	(tag) =	ssettag s2;
	_ =	strace s9  }
0x27: {  	s1 =	sld [smem:$0x3FAB]  }
0x28: {  	s2 =	sld [smem:$0x3FAC]  }
0x29: {  	s4 =	sld [smem:$0x3FAE]  }
0x2a: {  	p0 =	seq.s32 s5, $0x0;
	s5 =	sld [smem:$0x3FAF]  }
0x2b: {  	s6 =	sld [smem:$0x3FB0]  }
0x2c: {  	s7 =	sld [smem:$0x3FB1]  }
0x2d: {  	s3 =	simm.s32 $0x108;
	s8 =	sld [smem:$0x3FB2]  }
0x2e: {  	s3 =	simm.s32 @!p0 $0x1082;
	s9 =	sld [smem:$0x3FB3]  }
0x2f: {  	lr =	sadd.s32 s0, s3;
	s0 =	sld [smem:$0x3FAA]  }
0x30: {  	s3 =	sld [smem:$0x3FAD]  }
0x31: {  	[smem:$0x3FB6] =	sst s10  }
0x32: {  	s10 =	sld [smem:$0x3FB4];
	_ =	sdelay $0x3  }
0x33: {  	p0 =	seq.s32 s10, $0x1;
	s10 =	sld [smem:$0x3FB6];
	_ =	sdelay $0x3  }
0x34: {  	[smem:$0x3FB6] =	sst s10  }
0x35: {  	s10 =	sld [smem:$0x3FB5];
	_ =	sdelay $0x3  }
0x36: {  	p1 =	seq.s32 s10, $0x1;
	s10 =	sld [smem:$0x3FB6];
	_ =	sdelay $0x3  }
0x37: {  	[smem:$0x3FB6] =	sst s10  }
0x38: {  	s10 =	sld [smem:$0x3FB7]  }
0x39: {  	_ = 	snop;
	(pc) =	sbr.ind lr, $3  }
0x3a: {  	_ = 	snop  }
0x3b: {  	_ = 	snop  }
0x3c: {  	p2 =	seq.s32 s10, $0x1;
	s10 =	sld [smem:$0x3FB6]  }
0x3d: {  	_ =	shalt  }
0x3e: {  	_ =	shalt  }
0x3f: {  	_ =	shalt  }
0x40: {  	_ =	shalt  }
0x41: {  	_ =	shalt  }
0x42: {  	_ =	shalt  }
0x43: {  	_ =	shalt  }
0x44: {  	_ =	shalt  }
0x45: {  	_ =	shalt  }
0x46: {  	_ =	shalt  }
0x47: {  	_ =	shalt  }
0x48: {  	_ =	shalt  }
0x49: {  	_ =	shalt  }
0x4a: {  	_ =	shalt  }
0x4b: {  	_ =	shalt  }
0x4c: {  	_ =	shalt  }
0x4d: {  	_ =	shalt  }
0x4e: {  	_ =	shalt  }
0x4f: {  	_ =	shalt  }
0x50: {  	_ =	shalt  }
0x51: {  	_ =	shalt  }
0x52: {  	_ =	shalt  }
0x53: {  	_ =	shalt  }
0x54: {  	_ =	shalt  }
0x55: {  	_ =	shalt  }
0x56: {  	_ =	shalt  }
0x57: {  	_ =	shalt  }
0x58: {  	_ =	shalt  }
0x59: {  	_ =	shalt  }
0x5a: {  	_ =	shalt  }
0x5b: {  	_ =	shalt  }
0x5c: {  	_ =	shalt  }
0x5d: {  	_ =	shalt  }
0x5e: {  	_ =	shalt  }
0x5f: {  	_ =	shalt  }
0x60: {  	_ =	shalt  }
0x61: {  	_ =	shalt  }
0x62: {  	_ =	shalt  }
0x63: {  	_ =	shalt  }
0x64: {  	_ =	shalt  }
0x65: {  	_ =	shalt  }
0x66: {  	_ =	shalt  }
0x67: {  	_ =	shalt  }
0x68: {  	_ =	shalt  }
0x69: {  	_ =	shalt  }
0x6a: {  	_ =	shalt  }
0x6b: {  	_ =	shalt  }
0x6c: {  	_ =	shalt  }
0x6d: {  	_ =	shalt  }
0x6e: {  	_ =	shalt  }
0x6f: {  	_ =	shalt  }
0x70: {  	_ =	shalt  }
0x71: {  	_ =	shalt  }
0x72: {  	_ =	shalt  }
0x73: {  	_ =	shalt  }
0x74: {  	_ =	shalt  }
0x75: {  	_ =	shalt  }
0x76: {  	_ =	shalt  }
0x77: {  	_ =	shalt  }
0x78: {  	_ =	shalt  }
0x79: {  	_ =	shalt  }
0x7a: {  	_ =	shalt  }
0x7b: {  	_ =	shalt  }
0x7c: {  	_ =	shalt  }
0x7d: {  	_ =	shalt  }
0x7e: {  	_ =	shalt  }
0x7f: {  	_ =	shalt  }
0x80: {  	_ =	shalt  }
0x81: {  	_ =	shalt  }
0x82: {  	_ =	shalt  }
0x83: {  	_ =	shalt  }
0x84: {  	_ =	shalt  }
0x85: {  	_ =	shalt  }
0x86: {  	_ =	shalt  }
0x87: {  	_ =	shalt  }
.Lfunc_end0:
.L_simem_size_0:
called_computation.1_lowered:
.L_overlay_start_0:
0x88: {  	s2 =	sld [smem:$0x3FD9]  }
0x89: {  	s3 =	sld [smem:$0x3FFE];
	_ =	sdelay $0x1  }
0x8a: {  	s1 =	srdreg.scid  }
0x8b: {  	s0 =	sand.u32 $0x1, s1  }
0x8c: {  	s16 =	sshll.u32 s0, $0xA;
	s2 =	sadd.s32 s3, s2  }
0x8d: {  	s2 =	sadd.s32 s2, s16  }
0x8e: {  	[smem:$0x3FC2] =	sst s2  }
0x8f: {  	_ = 	snop  }
0x90: {  	(tm) =	ssettm $0x1  }
0x91: {  	s17 =	sld [smem:$0x3FFB];
	_ =	sdelay $0x3  }
0x92: {  	_ =	strace s17  }
0x93: {  	s2 =	sld [smem:$0x3FFC];
	_ =	sdelay $0x3  }
0x94: {  	_ =	strace s2  }
0x95: {  	s2 =	sld [smem:$0x3FFD];
	_ =	sdelay $0x3  }
0x96: {  	_ =	strace s2  }
0x97: {  	_ =	strace $0x8FFFFFFF  }
0x98: {  	s18 =	sld [smem:$0x3FDB];
	_ =	sdelay $0x1  }
0x99: {  	s19 =	simm.s32 $_scs_section_size  }
0x9a: {  	s4 =	simm.s32 $_size__tile_overlayer_lowered;
	s5 =	simm.s32 $_tile_overlayer_lowered  }
0x9b: {  	s22 =	simm.s32 $0x1BFF;
	s21 =	sshll.u32 s5, $0x1;
	s2 =	sadd.s32 s19, s18  }
0x9c: {  	s6 =	simm.s32 $0x0;
	s20 =	sshll.u32 s4, $0x1;
	s4 =	sadd.s32 s21, s2  }
0x9d: {  	[timem:s6], [sflag:s22] =	dma.local [hbm:s4], s20  }
0x9e: {  	_ =	swait.ge [sflag:s22], s20  }
0x9f: {  	s3 =	ssub.s32 $0x0, s20;
	[sflag:s22] =	ssyncset.done $0x0  }
0xa0: {  	[sflag:s22] =	ssyncadd.s32 s3;
	_ =	sdelay $0x1  }
0xa1: {  	s23 =	simm.s32 $0x1B8B  }
0xa2: {  	_ =	swait.ge [sflag:s23], $0x1  }
0xa3: {  	[sflag:s23] =	ssyncset.done $0x0  }
0xa4: {  	s25 =	simm.s32 $0x1B8E;
	s24 =	sld [smem:$0x3FFE];
	[sflag:s23] =	ssyncadd.s32 $0xFFFFFFFF  }
0xa5: {  	s26 =	simm.s32 $execute0_lowered;
	[smem:$0x3FD2] =	sst s25  }
0xa6: {  	s4 =	sshll.u32 s26, $0x1;
	_ =	strace $0x80000049;
	[dreg:$0x1] =	wrdreg $0xFFFFFFFF  }
0xa7: {  	s28 =	simm.s32 $_size_execute0_lowered;
	s2 =	sadd.s32 s2, s4;
	[dreg:$0x0] =	wrdreg $0x0  }
0xa8: {  	s4 =	sshll.u32 s28, $0x1;
	[dreg:$0x2] =	wrdreg s2  }
0xa9: {  	[dreg:$0x3] =	wrdreg s4  }
0xaa: {  	[dreg:$0x4] =	wrdreg $0xC0  }
0xab: {  	_ =	task [dreg:s6], $0x5FFFF  }
0xac: {  	[dreg:$0x1] =	wrdreg $0xFFFFFFFF  }
0xad: {  	[dreg:$0x0] =	wrdreg $0x60  }
0xae: {  	[dreg:$0x2] =	wrdreg s24  }
0xaf: {  	[dreg:$0x3] =	wrdreg $0x9  }
0xb0: {  	_ =	task.clear_ibuf [dreg:s6], $0x4FFFF;
	_ =	strace $0x90000049  }
0xb1: {  	s29 =	simm.s32 $0x9;
	_ =	strace $0x8000004B  }
0xb2: {  	_ =	swait.ge [sflag:s29], $0x1  }
0xb3: {  	[sflag:s29] =	ssyncadd.s32 $0xFFFFFFFF  }
0xb4: {  	_ =	strace $0x9000004B  }
0xb5: {  	_ =	sfence  }
0xb6: {  	s30 =	sld [smem:$0x0];
	_ =	sdelay $0x2  }
0xb7: {  	s31 =	sshll.u32 s1, $0xD;
	s1 =	sshrl.u32 s1, $0x2  }
0xb8: {  	s3 =	sand.u32 $0x4000, s31;
	s1 =	sadd.s32 s1, s30  }
0xb9: {  	s0 =	sor.u32 s3, s0;
	s1 =	sshll.u32 s1, $0x11  }
0xba: {  	s0 =	sor.u32 s1, s0  }
0xbb: {  	s0 =	sadd.s32 $0x8F2B, s0  }
0xbc: {  	[sflag:s0] =	ssyncadd.remote.s32 $0x1  }
0xbd: {  	_ =	sfence.sel $0xFFFF  }
0xbe: {  	[dreg:$0x0] =	wrdreg $0xFFFFFFFF;
	(pc) =	sbr.abs _section_cstart, $3  }
0xbf: {  	[dreg:$0x1] =	wrdreg $0xFFFFFFFF  }
0xc0: {  	_ =	task.clear_ibuf [dreg:s6], $0x2FFFF;
	_ =	strace $0x9FFFFFFF  }
0xc1: {  	(tm) =	ssettm $0x7FFFFFFF  }
tec
execute0_lowered:
.L_overlay_start_1:
0x0: {  	(tag) =	ssettag $0x1  }
0x1: {  	s0 =	srdreg.scid  }
0x2: {  	s3 =	sand.u32 $0x1, s0  }
0x3: {  	s0 =	stileid.u32;
	s1 =	sshll.u32 s3, $0x4  }
0x4: {  	s5 =	rddreg [dreg:$0x0];
	s9 =	simm.s32 $0x400;
	s2 =	sor.u32 s0, s1  }
0x5: {  	s10 =	simm.s32 $0x1000;
	s11 =	simm.s32 $0x1;
	s4 =	sshrl.u32 s2, $0x3  }
0x6: {  	s12 =	simm.s32 $0x800;
	s6 =	sshll.u32 s0, $0x7;
	s4 =	smul.u32 $0x4E400, s4  }
0x7: {  	s13 =	simm.s32 $0xAC80;
	s31 =	ssub.s32 $0x2, s3;
	s6 =	sand.u32 $0x380, s6  }
0x8: {  	s3 =	sadd.s32 $0x1400, s5;
	s1 =	rddreg [dreg:$0x1];
	s4 =	sor.u32 s6, s4  }
0x9: {  	s8 =	sshrl.u32 s31, $0x1;
	s2 =	simm.s32 $0x0;
	s7 =	sshrl.u32 s4, $0x3  }
0xa: {  	s8 =	ssub.s32 s31, s8;
	[smem:$0x7FF] =	sst s2;
	s7 =	sadd.s32 s7, s5  }
0xb: {  	_ =	strace $0x8000004A;
	s4 =	sadd.s32 $0xB200, s5;
	s5 =	sadd.s32 $0x15000, s7  }
0xc: {  	v0 =	vimm.f32 $0.0e+00;
	s6 =	sadd.s32 $0x3C200, s7;
	s7 =	smax.u32 s8, $0x1;
	s8 =	simm.s32 $0x80  }
.LBB2_1:
0xd: {  	s14 =	simm.s32 $0x40;
	s15 =	simm.s32 $0x0  }
.LBB2_2:
0xe: {  	p0 =	sne.s32 s14, $0x271C0;
	[tilespmem:s15+$0xAC80] =	vst v0;
	s15 =	smov.u32 s14;
	s14 =	sadd.s32 $0x40, s14  }
.Ltmp0:
0xf: {  	(pc) =	sbr.rel @p0 .LBB2_2-.Ltmp0, $2  }
0x10: {  	_ =	sdelay $0x2  }
0x11: {  	s15 =	sshra.s32 s15, $0x2  }
0x12: {  	[tilespmem:s15+$0xAC80] =	vst v0  }
0x13: {  	[tilespmem:s10], [sflag:$0x1] =	stream.strided.gather [hbm4b:s5+s8], $0x9C80, s9, s8, $0x38;
	[tilespmem:$0x14900] =	vst v63  }
0x14: {  	_ =	swait.ge [sflag:s11], $0x9C80  }
0x15: {  	[sflag:s11] =	ssyncset.done $0x0  }
0x16: {  	s14 =	simm.s32 $0x0;
	s15 =	simm.s32 $0x0;
	[sflag:s11] =	ssyncadd.s32 $0xFFFF6380  }
.LBB2_4:
0x17: {  	s16 =	smul.u32 $0xFA, s15;
	_ =	sdelay $0x1  }
0x18: {  	s17 =	sadd.s32 s4, s16  }
0x19: {  	[tilespmem:s14], [sflag:$0x1] =	stream.linear.gather [hbm4b:s17+s14], $0x7D0, $0x38;
	[tilespmem:$0x14900] =	vst v63  }
0x1a: {  	_ =	swait.ge [sflag:s11], $0x7D0  }
0x1b: {  	[sflag:s11] =	ssyncset.done $0x0  }
0x1c: {  	s16 =	sadd.s32 s3, s16;
	[sflag:s11] =	ssyncadd.s32 $0xFFFFF830  }
0x1d: {  	[tilespmem:s12], [sflag:$0x1] =	stream.linear.gather [hbm4b:s16+s14], $0x7D0, $0x38;
	[tilespmem:$0x14900] =	vst v63  }
0x1e: {  	_ =	swait.ge [sflag:s11], $0x7D0  }
0x1f: {  	[sflag:s11] =	ssyncset.done $0x0  }
0x20: {  	s31 =	simm.s32 $0x0;
	[sflag:s11] =	ssyncadd.s32 $0xFFFFF830  }
0x21: {  	v1 =	vld [tilespmem:s31+$0x800];
	_ =	sdelay $0x4  }
0x22: {  	v2 =	vld [tilespmem:s31+$0x0];
	v1 =	vshll.u32 v1, $0x2;
	_ =	sdelay $0x4  }
0x23: {  	v2 =	vshll.u32 v2, $0x2;
	v3 =	vld.idx.msk [tilespmem:v1+s10+$0x0], $0xffff  }
0x24: {  	v4 =	vor.u32 $0x1, v1;
	_ =	sdelay $0x3  }
0x25: {  	[tilespmem:v2+s13+$0x0] =	vst.idx.add.f32.msk $0xffff, v3  }
0x26: {  	v62 =	vor.u32 $0x1, v2;
	v3 =	vld.idx.msk [tilespmem:v4+s10+$0x0], $0xffff  }
0x27: {  	v5 =	vor.u32 $0x2, v1;
	_ =	sdelay $0x3  }
0x28: {  	[tilespmem:v62+s13+$0x0] =	vst.idx.add.f32.msk $0xffff, v3  }
0x29: {  	v63 =	vor.u32 $0x2, v2;
	v3 =	vld.idx.msk [tilespmem:v5+s10+$0x0], $0xffff  }
0x2a: {  	v1 =	vor.u32 $0x3, v1;
	_ =	sdelay $0x3  }
0x2b: {  	[tilespmem:v63+s13+$0x0] =	vst.idx.add.f32.msk $0xffff, v3  }
0x2c: {  	s17 =	simm.s32 $0x80;
	s16 =	simm.s32 $0x40;
	v2 =	vor.u32 $0x3, v2;
	v1 =	vld.idx.msk [tilespmem:v1+s10+$0x0], $0xffff  }
.LBB2_5:
0x2d: {  	_ =	sdelay $0x2  }
0x2e: {  	p0 =	sne.s32 s17, $0x1F00  }
0x2f: {  	s18 =	sshra.s32 s16, $0x2;
	s16 =	smov.u32 s17;
	s17 =	sadd.s32 $0x40, s17;
	[tilespmem:v2+s13+$0x0] =	vst.idx.add.f32.msk $0xffff, v1  }
0x30: {  	v1 =	vld [tilespmem:s18+$0x800];
	_ =	sdelay $0x4  }
0x31: {  	v1 =	vshll.u32 v1, $0x2  }
0x32: {  	v2 =	vld [tilespmem:s18+$0x0];
	_ =	sdelay $0x3  }
0x33: {  	v3 =	vld.idx.msk [tilespmem:v1+s10+$0x0], $0xffff  }
0x34: {  	v2 =	vshll.u32 v2, $0x2  }
0x35: {  	v4 =	vor.u32 $0x1, v1;
	_ =	sdelay $0x3  }
0x36: {  	[tilespmem:v2+s13+$0x0] =	vst.idx.add.f32.msk $0xffff, v3  }
0x37: {  	v3 =	vld.idx.msk [tilespmem:v4+s10+$0x0], $0xffff  }
0x38: {  	v4 =	vor.u32 $0x1, v2  }
0x39: {  	v5 =	vor.u32 $0x2, v1;
	_ =	sdelay $0x3  }
0x3a: {  	[tilespmem:v4+s13+$0x0] =	vst.idx.add.f32.msk $0xffff, v3  }
0x3b: {  	v3 =	vld.idx.msk [tilespmem:v5+s10+$0x0], $0xffff  }
0x3c: {  	v4 =	vor.u32 $0x2, v2  }
0x3d: {  	v1 =	vor.u32 $0x3, v1;
	_ =	sdelay $0x1  }
.Ltmp1:
0x3e: {  	(pc) =	sbr.rel @p0 .LBB2_5-.Ltmp1, $4  }
0x3f: {  	_ = 	snop  }
0x40: {  	[tilespmem:v4+s13+$0x0] =	vst.idx.add.f32.msk $0xffff, v3  }
0x41: {  	v1 =	vld.idx.msk [tilespmem:v1+s10+$0x0], $0xffff  }
0x42: {  	v2 =	vor.u32 $0x3, v2  }
0x43: {  	_ =	sdelay $0x3  }
0x44: {  	s16 =	sshra.s32 s16, $0x2;
	[tilespmem:v2+s13+$0x0] =	vst.idx.add.f32.msk $0xffff, v1  }
0x45: {  	v1 =	vld [tilespmem:s16+$0x800];
	_ =	sdelay $0x4  }
0x46: {  	v2 =	vld [tilespmem:s16+$0x0];
	v1 =	vshll.u32 v1, $0x2;
	_ =	sdelay $0x4  }
0x47: {  	v2 =	vshll.u32 v2, $0x2;
	v3 =	vld.idx.msk [tilespmem:v1+s10+$0x0], $0xffff  }
0x48: {  	v4 =	vor.u32 $0x1, v1;
	_ =	sdelay $0x3  }
0x49: {  	[tilespmem:v2+s13+$0x0] =	vst.idx.add.f32.msk $0xffff, v3  }
0x4a: {  	v62 =	vor.u32 $0x1, v2;
	v3 =	vld.idx.msk [tilespmem:v4+s10+$0x0], $0xffff  }
0x4b: {  	v5 =	vor.u32 $0x2, v1;
	_ =	sdelay $0x3  }
0x4c: {  	[tilespmem:v62+s13+$0x0] =	vst.idx.add.f32.msk $0xffff, v3  }
0x4d: {  	v63 =	vor.u32 $0x2, v2;
	v3 =	vld.idx.msk [tilespmem:v5+s10+$0x0], $0xffff  }
0x4e: {  	v1 =	vor.u32 $0x3, v1;
	_ =	sdelay $0x3  }
0x4f: {  	s15 =	sadd.s32 $0x1, s15;
	[tilespmem:v63+s13+$0x0] =	vst.idx.add.f32.msk $0xffff, v3  }
0x50: {  	p0 =	sne.s32 s15, $0xA0;
	v2 =	vor.u32 $0x3, v2;
	v1 =	vld.idx.msk [tilespmem:v1+s10+$0x0], $0xffff  }
.Ltmp2:
0x51: {  	_ = 	snop;
	(pc) =	sbr.rel @p0 .LBB2_4-.Ltmp2, $2  }
0x52: {  	_ =	sdelay $0x2  }
0x53: {  	[tilespmem:v2+s13+$0x0] =	vst.idx.add.f32.msk $0xffff, v1  }
0x54: {  	s2 =	sadd.s32 $0x1, s2  }
0x55: {  	p0 =	sne.s32 s2, s7  }
.Ltmp3:
0x56: {  	_ = 	snop;
	(pc) =	sbr.rel @p0 .LBB2_1-.Ltmp3, $4  }
0x57: {  	[hbm4b:s6+s8] =	stream.strided.scatter [tilespmem:s13], [sflag:$0x1], $0x9C80, s9, s8, $0x38;
	[tilespmem:$0x14900] =	vst v63  }
0x58: {  	_ =	swait.ge [sflag:s11], $0x9C80  }
0x59: {  	[sflag:s11] =	ssyncset.done $0x0  }
0x5a: {  	[sflag:s11] =	ssyncadd.s32 $0xFFFF6380  }
0x5b: {  	_ =	sfence.sel $0x180000  }
0x5c: {  	[bflag:$0x0] =	sbarrier.arrive $0xFFFF  }
0x5d: {  	p0 =	sne.s32 s0, $0x0;
	_ =	strace $0x9000004A  }
0x5e: {  	s0 =	sadd.s32 @!p0 $0x100000, s1;
	[bflag:$0x2] =	sbarrier.arrive $0xFFFF  }
0x5f: {  	[sflag:s0] =	ssyncadd.tile.s32 @!p0 $0x1;
	_ =	shalt  }
.Lfunc_end2:
_tile_overlayer_lowered:
.L_overlay_start_2:
0x60: {  	(tag) =	ssettag $0x2  }
0x61: {  	s0 =	rddreg [dreg:$0x0];
	s2 =	stileid.u32  }
0x62: {  	s1 =	rddreg [dreg:$0x1];
	p0 =	sne.s32 s2, $0x0  }
0x63: {  	s3 =	rddreg [dreg:$0x2];
	[bflag:$0x3] =	sbarrier.arrive $0xFFFF;
	s2 =	simm.s32 @!p0 $0x1C01  }
0x64: {  	[timem:s3], [sflag:s2] =	dma.local @!p0 [hbm:s0], s1  }
0x65: {  	s0 =	simm.s32 @!p0 $0x1  }
0x66: {  	_ =	swait.ge @!p0 [sflag:s0], s1  }
0x67: {  	s1 =	ssub.s32 @!p0 $0x0, s1;
	[sflag:s0] =	ssyncset.done @!p0 $0x0  }
0x68: {  	[sflag:s0] =	ssyncadd.s32 @!p0 s1  }
0x69: {  	[bflag:$0x3] =	sbarrier.arrive $0xFFFF  }
0x6a: {  	_ =	shalt  }

// kernel: kernel.14.cloned.1.call-start
scs
__scs_entry_jumppad:
0x0: {  	(pc) =	sbr.rel $0x88, $3  }
0x1: {  	(tag) =	ssettag $0x0;
	lr =	simm.s32 $0x1  }
0x2: {  	[smem:$0x3F9B] =	sst lr;
	_ =	strace $0xD0000000  }
0x3: {  	_ = 	snop  }
0x4: {  	_ = 	snop  }
0x5: {  	_ = 	snop  }
0x6: {  	_ = 	snop  }
0x7: {  	_ = 	snop  }
__scs_overlays_trampoline_lowered:
0x8: {  	[smem:$0x3FAA] =	sst s0  }
0x9: {  	[smem:$0x3FAB] =	sst s1  }
0xa: {  	[smem:$0x3FAC] =	sst s2  }
0xb: {  	[smem:$0x3FAD] =	sst s3  }
0xc: {  	[smem:$0x3FAE] =	sst s4  }
0xd: {  	[smem:$0x3FAF] =	sst s5  }
0xe: {  	[smem:$0x3FB0] =	sst s6  }
0xf: {  	[smem:$0x3FB1] =	sst s7  }
0x10: {  	[smem:$0x3FB2] =	sst s8  }
0x11: {  	[smem:$0x3FB3] =	sst s9;
	s0 =	simm.s32 @!p0 $0x0  }
0x12: {  	s1 =	sld [smem:$0x3F99];
	s0 =	simm.s32 @p0 $0x1  }
0x13: {  	[smem:$0x3FB4] =	sst s0;
	s0 =	simm.s32 @!p1 $0x0  }
0x14: {  	s2 =	sld [smem:$0x3F98];
	s0 =	simm.s32 @p1 $0x1  }
0x15: {  	[smem:$0x3FB5] =	sst s0;
	s0 =	simm.s32 @!p2 $0x0  }
0x16: {  	s3 =	sld [smem:$0x3FDB];
	s0 =	simm.s32 @p2 $0x1  }
0x17: {  	s4 =	simm.s32 $0x1BF5;
	[smem:$0x3FB7] =	sst s0  }
0x18: {  	s0 =	sld [smem:$0x3F9A];
	_ =	swait.ge [sflag:s4], $0x0  }
0x19: {  	s7 =	sld [smem:$0x3F9B]  }
0x1a: {  	s8 =	sadd.s32 $0xFFFFE003, lr  }
0x1b: {  	s9 =	sadd.s32 $0xFFFFFEF7, lr;
	s5 =	simm.s32 $0xFFFFFFFF;
	p2 =	slt.u32 s8, $0xFFFFF086  }
0x1c: {  	p1 =	slt.u32 s9, $0xF7A;
	s5 =	simm.s32 @!p2 $0x0  }
0x1d: {  	s5 =	simm.s32 @p1 $0x1;
	p0 =	seq.s32 s7, s2  }
0x1e: {  	s7 =	smul.u32 @!p0 $0xF7A, s2;
	p2 =	seq.s32 @!p0 s5, $0x0  }
0x1f: {  	s9 =	smul.u32 $0xF7A, s1;
	s8 =	simm.s32 @!p0 $0x1BF5;
	p2 =	por !p2, p0  }
0x20: {  	[sflag:s8] =	ssyncset.s32 @!p0 $0xFFFFF086;
	s6 =	sadd.s32 @!p0 s3, s7;
	s7 =	simm.s32 @!p0 $0x108  }
0x21: {  	s3 =	sadd.s32 s3, s9;
	s6 =	sadd.s32 @!p0 $0x88, s6;
	s7 =	simm.s32 @p2 $0x1082  }
0x22: {  	[simem:s7], [sflag:s8] =	dma.local @!p0 [hbm:s6], $0xF7A  }
0x23: {  	s9 =	sor.u32 $0xD0000000, s2;
	s6 =	simm.s32 $0x108;
	_ =	swait.ge @!p0 [sflag:s8], $0x0  }
0x24: {  	s3 =	sadd.s32 $0x88, s3;
	s6 =	simm.s32 @!p1 $0x1082;
	[sflag:s4] =	ssyncset.s32 $0xFFFFF086  }
0x25: {  	[simem:s6], [sflag:s4] =	dma.local [hbm:s3], $0xF7A  }
0x26: {  	[smem:$0x3F9B] =	sst s1;
	(tag) =	ssettag s2;
	_ =	strace s9  }
0x27: {  	s1 =	sld [smem:$0x3FAB]  }
0x28: {  	s2 =	sld [smem:$0x3FAC]  }
0x29: {  	s4 =	sld [smem:$0x3FAE]  }
0x2a: {  	p0 =	seq.s32 s5, $0x0;
	s5 =	sld [smem:$0x3FAF]  }
0x2b: {  	s6 =	sld [smem:$0x3FB0]  }
0x2c: {  	s7 =	sld [smem:$0x3FB1]  }
0x2d: {  	s3 =	simm.s32 $0x108;
	s8 =	sld [smem:$0x3FB2]  }
0x2e: {  	s3 =	simm.s32 @!p0 $0x1082;
	s9 =	sld [smem:$0x3FB3]  }
0x2f: {  	lr =	sadd.s32 s0, s3;
	s0 =	sld [smem:$0x3FAA]  }
0x30: {  	s3 =	sld [smem:$0x3FAD]  }
0x31: {  	[smem:$0x3FB6] =	sst s10  }
0x32: {  	s10 =	sld [smem:$0x3FB4];
	_ =	sdelay $0x3  }
0x33: {  	p0 =	seq.s32 s10, $0x1;
	s10 =	sld [smem:$0x3FB6];
	_ =	sdelay $0x3  }
0x34: {  	[smem:$0x3FB6] =	sst s10  }
0x35: {  	s10 =	sld [smem:$0x3FB5];
	_ =	sdelay $0x3  }
0x36: {  	p1 =	seq.s32 s10, $0x1;
	s10 =	sld [smem:$0x3FB6];
	_ =	sdelay $0x3  }
0x37: {  	[smem:$0x3FB6] =	sst s10  }
0x38: {  	s10 =	sld [smem:$0x3FB7]  }
0x39: {  	_ = 	snop;
	(pc) =	sbr.ind lr, $3  }
0x3a: {  	_ = 	snop  }
0x3b: {  	_ = 	snop  }
0x3c: {  	p2 =	seq.s32 s10, $0x1;
	s10 =	sld [smem:$0x3FB6]  }
0x3d: {  	_ =	shalt  }
0x3e: {  	_ =	shalt  }
0x3f: {  	_ =	shalt  }
0x40: {  	_ =	shalt  }
0x41: {  	_ =	shalt  }
0x42: {  	_ =	shalt  }
0x43: {  	_ =	shalt  }
0x44: {  	_ =	shalt  }
0x45: {  	_ =	shalt  }
0x46: {  	_ =	shalt  }
0x47: {  	_ =	shalt  }
0x48: {  	_ =	shalt  }
0x49: {  	_ =	shalt  }
0x4a: {  	_ =	shalt  }
0x4b: {  	_ =	shalt  }
0x4c: {  	_ =	shalt  }
0x4d: {  	_ =	shalt  }
0x4e: {  	_ =	shalt  }
0x4f: {  	_ =	shalt  }
0x50: {  	_ =	shalt  }
0x51: {  	_ =	shalt  }
0x52: {  	_ =	shalt  }
0x53: {  	_ =	shalt  }
0x54: {  	_ =	shalt  }
0x55: {  	_ =	shalt  }
0x56: {  	_ =	shalt  }
0x57: {  	_ =	shalt  }
0x58: {  	_ =	shalt  }
0x59: {  	_ =	shalt  }
0x5a: {  	_ =	shalt  }
0x5b: {  	_ =	shalt  }
0x5c: {  	_ =	shalt  }
0x5d: {  	_ =	shalt  }
0x5e: {  	_ =	shalt  }
0x5f: {  	_ =	shalt  }
0x60: {  	_ =	shalt  }
0x61: {  	_ =	shalt  }
0x62: {  	_ =	shalt  }
0x63: {  	_ =	shalt  }
0x64: {  	_ =	shalt  }
0x65: {  	_ =	shalt  }
0x66: {  	_ =	shalt  }
0x67: {  	_ =	shalt  }
0x68: {  	_ =	shalt  }
0x69: {  	_ =	shalt  }
0x6a: {  	_ =	shalt  }
0x6b: {  	_ =	shalt  }
0x6c: {  	_ =	shalt  }
0x6d: {  	_ =	shalt  }
0x6e: {  	_ =	shalt  }
0x6f: {  	_ =	shalt  }
0x70: {  	_ =	shalt  }
0x71: {  	_ =	shalt  }
0x72: {  	_ =	shalt  }
0x73: {  	_ =	shalt  }
0x74: {  	_ =	shalt  }
0x75: {  	_ =	shalt  }
0x76: {  	_ =	shalt  }
0x77: {  	_ =	shalt  }
0x78: {  	_ =	shalt  }
0x79: {  	_ =	shalt  }
0x7a: {  	_ =	shalt  }
0x7b: {  	_ =	shalt  }
0x7c: {  	_ =	shalt  }
0x7d: {  	_ =	shalt  }
0x7e: {  	_ =	shalt  }
0x7f: {  	_ =	shalt  }
0x80: {  	_ =	shalt  }
0x81: {  	_ =	shalt  }
0x82: {  	_ =	shalt  }
0x83: {  	_ =	shalt  }
0x84: {  	_ =	shalt  }
0x85: {  	_ =	shalt  }
0x86: {  	_ =	shalt  }
0x87: {  	_ =	shalt  }
.Lfunc_end0:
.L_simem_size_0:
called_computation.2_lowered:
.L_overlay_start_0:
0x88: {  	s2 =	sld [smem:$0x3FD9]  }
0x89: {  	s3 =	sld [smem:$0x3FFE];
	_ =	sdelay $0x1  }
0x8a: {  	s1 =	srdreg.scid  }
0x8b: {  	s0 =	sand.u32 $0x1, s1  }
0x8c: {  	s17 =	sshll.u32 s0, $0xA;
	s2 =	sadd.s32 s3, s2  }
0x8d: {  	s2 =	sadd.s32 s2, s17  }
0x8e: {  	[smem:$0x3FC2] =	sst s2  }
0x8f: {  	_ = 	snop  }
0x90: {  	s2 =	sld [smem:$0x3FD0];
	(tm) =	ssettm $0x1  }
0x91: {  	s18 =	sld [smem:$0x3FFB];
	_ =	sdelay $0x3  }
0x92: {  	_ =	strace s18  }
0x93: {  	s3 =	sld [smem:$0x3FFC];
	_ =	sdelay $0x3  }
0x94: {  	_ =	strace s3  }
0x95: {  	s3 =	sld [smem:$0x3FFD];
	_ =	sdelay $0x3  }
0x96: {  	_ =	strace s3  }
0x97: {  	_ =	strace $0x8FFFFFFF  }
0x98: {  	s19 =	sld [smem:$0x3FDB];
	_ =	sdelay $0x1  }
0x99: {  	s4 =	simm.s32 $_scs_section_size  }
0x9a: {  	s5 =	simm.s32 $_size__tile_overlayer_lowered;
	s6 =	simm.s32 $_tile_overlayer_lowered  }
0x9b: {  	s22 =	simm.s32 $0x1BFF;
	s21 =	sshll.u32 s6, $0x1;
	s3 =	sadd.s32 s4, s19  }
0x9c: {  	s7 =	simm.s32 $0x0;
	s20 =	sshll.u32 s5, $0x1;
	s5 =	sadd.s32 s21, s3  }
0x9d: {  	[timem:s7], [sflag:s22] =	dma.local [hbm:s5], s20  }
0x9e: {  	_ =	swait.ge [sflag:s22], s20  }
0x9f: {  	s4 =	ssub.s32 $0x0, s20;
	[sflag:s22] =	ssyncset.done $0x0  }
0xa0: {  	[sflag:s22] =	ssyncadd.s32 s4;
	_ =	sdelay $0x1  }
0xa1: {  	s23 =	simm.s32 $0x1B8B  }
0xa2: {  	_ =	swait.ge [sflag:s23], $0x1  }
0xa3: {  	[sflag:s23] =	ssyncset.done $0x0  }
0xa4: {  	s25 =	simm.s32 $0x1B8E;
	s24 =	sld [smem:$0x3FFE];
	[sflag:s23] =	ssyncadd.s32 $0xFFFFFFFF  }
0xa5: {  	s26 =	simm.s32 $execute0_lowered;
	[smem:$0x3FD2] =	sst s25  }
0xa6: {  	s5 =	sshll.u32 s26, $0x1;
	_ =	strace $0x8000004C;
	[dreg:$0x1] =	wrdreg $0xFFFFFFFF  }
0xa7: {  	s28 =	simm.s32 $_size_execute0_lowered;
	s3 =	sadd.s32 s3, s5;
	[dreg:$0x0] =	wrdreg $0x0  }
0xa8: {  	s5 =	sshll.u32 s28, $0x1;
	[dreg:$0x2] =	wrdreg s3  }
0xa9: {  	[dreg:$0x3] =	wrdreg s5  }
0xaa: {  	[dreg:$0x4] =	wrdreg $0xC0  }
0xab: {  	_ =	task [dreg:s7], $0x5FFFF  }
0xac: {  	[dreg:$0x1] =	wrdreg $0xFFFFFFFF  }
0xad: {  	[dreg:$0x0] =	wrdreg $0x60  }
0xae: {  	[dreg:$0x2] =	wrdreg s2  }
0xaf: {  	[dreg:$0x3] =	wrdreg s24  }
0xb0: {  	[dreg:$0x4] =	wrdreg $0x9  }
0xb1: {  	_ =	task.clear_ibuf [dreg:s7], $0x5FFFF;
	_ =	strace $0x9000004C  }
0xb2: {  	s29 =	simm.s32 $0x9;
	_ =	strace $0x8000004E  }
0xb3: {  	_ =	swait.ge [sflag:s29], $0x1  }
0xb4: {  	[sflag:s29] =	ssyncadd.s32 $0xFFFFFFFF  }
0xb5: {  	_ =	strace $0x9000004E  }
0xb6: {  	_ =	sfence  }
0xb7: {  	s30 =	sld [smem:$0x0];
	_ =	sdelay $0x2  }
0xb8: {  	s31 =	sshll.u32 s1, $0xD;
	s1 =	sshrl.u32 s1, $0x2  }
0xb9: {  	s3 =	sand.u32 $0x4000, s31;
	s1 =	sadd.s32 s1, s30  }
0xba: {  	s0 =	sor.u32 s3, s0;
	s1 =	sshll.u32 s1, $0x11  }
0xbb: {  	s0 =	sor.u32 s1, s0  }
0xbc: {  	s0 =	sadd.s32 $0x8F2B, s0  }
0xbd: {  	[sflag:s0] =	ssyncadd.remote.s32 $0x1  }
0xbe: {  	_ =	sfence.sel $0xFFFF  }
0xbf: {  	[dreg:$0x0] =	wrdreg $0xFFFFFFFF;
	(pc) =	sbr.abs _section_cstart, $3  }
0xc0: {  	[dreg:$0x1] =	wrdreg $0xFFFFFFFF  }
0xc1: {  	_ =	task.clear_ibuf [dreg:s7], $0x2FFFF;
	_ =	strace $0x9FFFFFFF  }
0xc2: {  	(tm) =	ssettm $0x7FFFFFFF  }
0xc3: {  	_ =	shalt  }
tec
execute0_lowered:
.L_overlay_start_1:
0x0: {  	(tag) =	ssettag $0x1  }
0x1: {  	s0 =	srdreg.scid;
	s2 =	rddreg [dreg:$0x0]  }
0x2: {  	s6 =	rddreg [dreg:$0x1];
	s3 =	simm.s32 $0x0;
	s4 =	sand.u32 $0x1, s0  }
0x3: {  	s11 =	simm.s32 $0x800;
	s0 =	stileid.u32;
	s1 =	sshll.u32 s4, $0x4  }
0x4: {  	s12 =	simm.s32 $0x5E80;
	s13 =	simm.s32 $0x80;
	s7 =	sor.u32 s0, s1  }
0x5: {  	s14 =	simm.s32 $0x400;
	[smem:$0x7FF] =	sst s3;
	s5 =	sshrl.u32 s7, $0x3  }
0x6: {  	s8 =	sshll.u32 s0, $0x7;
	s31 =	ssub.s32 $0x2, s4;
	s5 =	smul.u32 $0x27400, s5  }
0x7: {  	s4 =	sadd.s32 $0x1400, s6;
	s1 =	rddreg [dreg:$0x2];
	s8 =	sand.u32 $0x380, s8  }
0x8: {  	_ =	strace $0x8000004D;
	s10 =	sshrl.u32 s31, $0x1;
	s5 =	sor.u32 s8, s5  }
0x9: {  	s8 =	ssub.s32 s31, s10;
	s10 =	simm.s32 $0x1;
	s9 =	sshrl.u32 s5, $0x3  }
0xa: {  	s5 =	sadd.s32 $0xB200, s6;
	s8 =	smax.u32 s8, $0x1;
	s9 =	sadd.s32 s9, s6  }
0xb: {  	v0 =	vimm.f32 $0.0e+00;
	s6 =	smul.u32 $0x2710, s7;
	s7 =	sadd.s32 $0x15000, s9;
	s9 =	simm.s32 $0x1000  }
.LBB2_1:
0xc: {  	s15 =	simm.s32 $0x40;
	s16 =	simm.s32 $0x0  }
.LBB2_2:
0xd: {  	p0 =	sne.s32 s15, $0x138C0;
	[tilespmem:s16+$0x5E80] =	vst v0;
	s16 =	smov.u32 s15;
	s15 =	sadd.s32 $0x40, s15  }
.Ltmp0:
0xe: {  	(pc) =	sbr.rel @p0 .LBB2_2-.Ltmp0, $2  }
0xf: {  	_ =	sdelay $0x2  }
0x10: {  	s16 =	sshra.s32 s16, $0x2  }
0x11: {  	[tilespmem:s16+$0x5E80] =	vst v0;
	s15 =	simm.s32 $0x0  }
0x12: {  	[tilespmem:s9], [sflag:$0x1] =	stream.linear.gather [hbm4b:s2+s15], $0x4E80, $0x38;
	[tilespmem:$0xAD00] =	vst v63  }
0x13: {  	_ =	swait.ge [sflag:s10], $0x4E80  }
0x14: {  	[sflag:s10] =	ssyncset.done $0x0  }
0x15: {  	s16 =	simm.s32 $0x0;
	[sflag:s10] =	ssyncadd.s32 $0xFFFFB180  }
.LBB2_4:
0x16: {  	s17 =	smul.u32 $0x7D0, s16;
	_ =	sdelay $0x1  }
0x17: {  	s17 =	sadd.s32 s6, s17  }
0x18: {  	s17 =	sshrl.u32 s17, $0x3  }
0x19: {  	s18 =	sadd.s32 s5, s17  }
0x1a: {  	[tilespmem:s15], [sflag:$0x1] =	stream.linear.gather [hbm4b:s18+s15], $0x7D0, $0x38;
	[tilespmem:$0xAD00] =	vst v63  }
0x1b: {  	_ =	swait.ge [sflag:s10], $0x7D0  }
0x1c: {  	[sflag:s10] =	ssyncset.done $0x0  }
0x1d: {  	s17 =	sadd.s32 s4, s17;
	[sflag:s10] =	ssyncadd.s32 $0xFFFFF830  }
0x1e: {  	[tilespmem:s11], [sflag:$0x1] =	stream.linear.gather [hbm4b:s17+s15], $0x7D0, $0x38;
	[tilespmem:$0xAD00] =	vst v63  }
0x1f: {  	_ =	swait.ge [sflag:s10], $0x7D0  }
0x20: {  	[sflag:s10] =	ssyncset.done $0x0  }
0x21: {  	s18 =	simm.s32 $0x0;
	s17 =	simm.s32 $0x40;
	[sflag:s10] =	ssyncadd.s32 $0xFFFFF830  }
.LBB2_5:
0x22: {  	p0 =	sne.s32 s17, $0x1F00;
	v1 =	vld [tilespmem:s18+$0x800]  }
0x23: {  	v2 =	vld [tilespmem:s18+$0x0];
	_ =	sdelay $0x3  }
0x24: {  	v1 =	vshll.u32 v1, $0x1;
	_ =	sdelay $0x4  }
0x25: {  	v3 =	vld.idx.msk [tilespmem:v1+s9+$0x0], $0xffff  }
0x26: {  	v2 =	vshll.u32 v2, $0x1  }
0x27: {  	v1 =	vor.u32 $0x1, v1;
	_ =	sdelay $0x3  }
0x28: {  	[tilespmem:v2+s12+$0x0] =	vst.idx.add.f32.msk $0xffff, v3  }
0x29: {  	v1 =	vld.idx.msk [tilespmem:v1+s9+$0x0], $0xffff  }
0x2a: {  	v2 =	vor.u32 $0x1, v2  }
.Ltmp1:
0x2b: {  	(pc) =	sbr.rel @p0 .LBB2_5-.Ltmp1, $2  }
0x2c: {  	_ =	sdelay $0x2  }
0x2d: {  	s18 =	sshra.s32 s17, $0x2;
	s17 =	sadd.s32 $0x40, s17;
	[tilespmem:v2+s12+$0x0] =	vst.idx.add.f32.msk $0xffff, v1  }
0x2e: {  	v1 =	vld [tilespmem:s18+$0x800];
	_ =	sdelay $0x4  }
0x2f: {  	v2 =	vld [tilespmem:s18+$0x0];
	v1 =	vshll.u32 v1, $0x1;
	_ =	sdelay $0x4  }
0x30: {  	v2 =	vshll.u32 v2, $0x1;
	v3 =	vld.idx.msk [tilespmem:v1+s9+$0x0], $0xffff  }
0x31: {  	v1 =	vor.u32 $0x1, v1;
	_ =	sdelay $0x3  }
0x32: {  	s16 =	sadd.s32 $0x1, s16;
	[tilespmem:v2+s12+$0x0] =	vst.idx.add.f32.msk $0xffff, v3  }
0x33: {  	p0 =	sne.s32 s16, $0x5;
	v2 =	vor.u32 $0x1, v2;
	v1 =	vld.idx.msk [tilespmem:v1+s9+$0x0], $0xffff  }
.Ltmp2:
0x34: {  	_ = 	snop;
	(pc) =	sbr.rel @p0 .LBB2_4-.Ltmp2, $2  }
0x35: {  	_ =	sdelay $0x2  }
0x36: {  	[tilespmem:v2+s12+$0x0] =	vst.idx.add.f32.msk $0xffff, v1  }
0x37: {  	s3 =	sadd.s32 $0x1, s3  }
0x38: {  	p0 =	sne.s32 s3, s8  }
.Ltmp3:
0x39: {  	_ = 	snop;
	(pc) =	sbr.rel @p0 .LBB2_1-.Ltmp3, $4  }
0x3a: {  	[hbm4b:s7+s13] =	stream.strided.scatter [tilespmem:s12], [sflag:$0x1], $0x4E80, s14, s13, $0x38;
	[tilespmem:$0xAD00] =	vst v63  }
0x3b: {  	_ =	swait.ge [sflag:s10], $0x4E80  }
0x3c: {  	[sflag:s10] =	ssyncset.done $0x0  }
0x3d: {  	[sflag:s10] =	ssyncadd.s32 $0xFFFFB180  }
0x3e: {  	_ =	sfence.sel $0x180000  }
0x3f: {  	[bflag:$0x0] =	sbarrier.arrive $0xFFFF  }
0x40: {  	p0 =	sne.s32 s0, $0x0;
	_ =	strace $0x9000004D  }
0x41: {  	s0 =	sadd.s32 @!p0 $0x100000, s1;
	[bflag:$0x2] =	sbarrier.arrive $0xFFFF  }
0x42: {  	[sflag:s0] =	ssyncadd.tile.s32 @!p0 $0x1;
	_ =	shalt  }
.Lfunc_end2:
_tile_overlayer_lowered:
.L_overlay_start_2:
0x43: {  	(tag) =	ssettag $0x2  }
0x44: {  	s0 =	rddreg [dreg:$0x0];
	s2 =	stileid.u32  }
0x45: {  	s1 =	rddreg [dreg:$0x1];
	p0 =	sne.s32 s2, $0x0  }
0x46: {  	s3 =	rddreg [dreg:$0x2];
	[bflag:$0x3] =	sbarrier.arrive $0xFFFF;
	s2 =	simm.s32 @!p0 $0x1C01  }
0x47: {  	[timem:s3], [sflag:s2] =	dma.local @!p0 [hbm:s0], s1  }
0x48: {  	s0 =	simm.s32 @!p0 $0x1  }
0x49: {  	_ =	swait.ge @!p0 [sflag:s0], s1  }
0x4a: {  	s1 =	ssub.s32 @!p0 $0x0, s1;
	[sflag:s0] =	ssyncset.done @!p0 $0x0  }
0x4b: {  	[sflag:s0] =	ssyncadd.s32 @!p0 s1  }
0x4c: {  	[bflag:$0x3] =	sbarrier.arrive $0xFFFF  }
0x4d: {  	_ =	shalt  }

// kernel: kernel.8.cloned.1.call-start
scs
__scs_entry_jumppad:
0x0: {  	(pc) =	sbr.rel $0x88, $3  }
0x1: {  	(tag) =	ssettag $0x0;
	lr =	simm.s32 $0x1  }
0x2: {  	[smem:$0x3F9B] =	sst lr;
	_ =	strace $0xD0000000  }
0x3: {  	_ = 	snop  }
0x4: {  	_ = 	snop  }
0x5: {  	_ = 	snop  }
0x6: {  	_ = 	snop  }
0x7: {  	_ = 	snop  }
__scs_overlays_trampoline_lowered:
0x8: {  	[smem:$0x3FAA] =	sst s0  }
0x9: {  	[smem:$0x3FAB] =	sst s1  }
0xa: {  	[smem:$0x3FAC] =	sst s2  }
0xb: {  	[smem:$0x3FAD] =	sst s3  }
0xc: {  	[smem:$0x3FAE] =	sst s4  }
0xd: {  	[smem:$0x3FAF] =	sst s5  }
0xe: {  	[smem:$0x3FB0] =	sst s6  }
0xf: {  	[smem:$0x3FB1] =	sst s7  }
0x10: {  	[smem:$0x3FB2] =	sst s8  }
0x11: {  	[smem:$0x3FB3] =	sst s9;
	s0 =	simm.s32 @!p0 $0x0  }
0x12: {  	s1 =	sld [smem:$0x3F99];
	s0 =	simm.s32 @p0 $0x1  }
0x13: {  	[smem:$0x3FB4] =	sst s0;
	s0 =	simm.s32 @!p1 $0x0  }
0x14: {  	s2 =	sld [smem:$0x3F98];
	s0 =	simm.s32 @p1 $0x1  }
0x15: {  	[smem:$0x3FB5] =	sst s0;
	s0 =	simm.s32 @!p2 $0x0  }
0x16: {  	s3 =	sld [smem:$0x3FDB];
	s0 =	simm.s32 @p2 $0x1  }
0x17: {  	s4 =	simm.s32 $0x1BF5;
	[smem:$0x3FB7] =	sst s0  }
0x18: {  	s0 =	sld [smem:$0x3F9A];
	_ =	swait.ge [sflag:s4], $0x0  }
0x19: {  	s7 =	sld [smem:$0x3F9B]  }
0x1a: {  	s8 =	sadd.s32 $0xFFFFE003, lr  }
0x1b: {  	s9 =	sadd.s32 $0xFFFFFEF7, lr;
	s5 =	simm.s32 $0xFFFFFFFF;
	p2 =	slt.u32 s8, $0xFFFFF086  }
0x1c: {  	p1 =	slt.u32 s9, $0xF7A;
	s5 =	simm.s32 @!p2 $0x0  }
0x1d: {  	s5 =	simm.s32 @p1 $0x1;
	p0 =	seq.s32 s7, s2  }
0x1e: {  	s7 =	smul.u32 @!p0 $0xF7A, s2;
	p2 =	seq.s32 @!p0 s5, $0x0  }
0x1f: {  	s9 =	smul.u32 $0xF7A, s1;
	s8 =	simm.s32 @!p0 $0x1BF5;
	p2 =	por !p2, p0  }
0x20: {  	[sflag:s8] =	ssyncset.s32 @!p0 $0xFFFFF086;
	s6 =	sadd.s32 @!p0 s3, s7;
	s7 =	simm.s32 @!p0 $0x108  }
0x21: {  	s3 =	sadd.s32 s3, s9;
	s6 =	sadd.s32 @!p0 $0x88, s6;
	s7 =	simm.s32 @p2 $0x1082  }
0x22: {  	[simem:s7], [sflag:s8] =	dma.local @!p0 [hbm:s6], $0xF7A  }
0x23: {  	s9 =	sor.u32 $0xD0000000, s2;
	s6 =	simm.s32 $0x108;
	_ =	swait.ge @!p0 [sflag:s8], $0x0  }
0x24: {  	s3 =	sadd.s32 $0x88, s3;
	s6 =	simm.s32 @!p1 $0x1082;
	[sflag:s4] =	ssyncset.s32 $0xFFFFF086  }
0x25: {  	[simem:s6], [sflag:s4] =	dma.local [hbm:s3], $0xF7A  }
0x26: {  	[smem:$0x3F9B] =	sst s1;
	(tag) =	ssettag s2;
	_ =	strace s9  }
0x27: {  	s1 =	sld [smem:$0x3FAB]  }
0x28: {  	s2 =	sld [smem:$0x3FAC]  }
0x29: {  	s4 =	sld [smem:$0x3FAE]  }
0x2a: {  	p0 =	seq.s32 s5, $0x0;
	s5 =	sld [smem:$0x3FAF]  }
0x2b: {  	s6 =	sld [smem:$0x3FB0]  }
0x2c: {  	s7 =	sld [smem:$0x3FB1]  }
0x2d: {  	s3 =	simm.s32 $0x108;
	s8 =	sld [smem:$0x3FB2]  }
0x2e: {  	s3 =	simm.s32 @!p0 $0x1082;
	s9 =	sld [smem:$0x3FB3]  }
0x2f: {  	lr =	sadd.s32 s0, s3;
	s0 =	sld [smem:$0x3FAA]  }
0x30: {  	s3 =	sld [smem:$0x3FAD]  }
0x31: {  	[smem:$0x3FB6] =	sst s10  }
0x32: {  	s10 =	sld [smem:$0x3FB4];
	_ =	sdelay $0x3  }
0x33: {  	p0 =	seq.s32 s10, $0x1;
	s10 =	sld [smem:$0x3FB6];
	_ =	sdelay $0x3  }
0x34: {  	[smem:$0x3FB6] =	sst s10  }
0x35: {  	s10 =	sld [smem:$0x3FB5];
	_ =	sdelay $0x3  }
0x36: {  	p1 =	seq.s32 s10, $0x1;
	s10 =	sld [smem:$0x3FB6];
	_ =	sdelay $0x3  }
0x37: {  	[smem:$0x3FB6] =	sst s10  }
0x38: {  	s10 =	sld [smem:$0x3FB7]  }
0x39: {  	_ = 	snop;
	(pc) =	sbr.ind lr, $3  }
0x3a: {  	_ = 	snop  }
0x3b: {  	_ = 	snop  }
0x3c: {  	p2 =	seq.s32 s10, $0x1;
	s10 =	sld [smem:$0x3FB6]  }
0x3d: {  	_ =	shalt  }
0x3e: {  	_ =	shalt  }
0x3f: {  	_ =	shalt  }
0x40: {  	_ =	shalt  }
0x41: {  	_ =	shalt  }
0x42: {  	_ =	shalt  }
0x43: {  	_ =	shalt  }
0x44: {  	_ =	shalt  }
0x45: {  	_ =	shalt  }
0x46: {  	_ =	shalt  }
0x47: {  	_ =	shalt  }
0x48: {  	_ =	shalt  }
0x49: {  	_ =	shalt  }
0x4a: {  	_ =	shalt  }
0x4b: {  	_ =	shalt  }
0x4c: {  	_ =	shalt  }
0x4d: {  	_ =	shalt  }
0x4e: {  	_ =	shalt  }
0x4f: {  	_ =	shalt  }
0x50: {  	_ =	shalt  }
0x51: {  	_ =	shalt  }
0x52: {  	_ =	shalt  }
0x53: {  	_ =	shalt  }
0x54: {  	_ =	shalt  }
0x55: {  	_ =	shalt  }
0x56: {  	_ =	shalt  }
0x57: {  	_ =	shalt  }
0x58: {  	_ =	shalt  }
0x59: {  	_ =	shalt  }
0x5a: {  	_ =	shalt  }
0x5b: {  	_ =	shalt  }
0x5c: {  	_ =	shalt  }
0x5d: {  	_ =	shalt  }
0x5e: {  	_ =	shalt  }
0x5f: {  	_ =	shalt  }
0x60: {  	_ =	shalt  }
0x61: {  	_ =	shalt  }
0x62: {  	_ =	shalt  }
0x63: {  	_ =	shalt  }
0x64: {  	_ =	shalt  }
0x65: {  	_ =	shalt  }
0x66: {  	_ =	shalt  }
0x67: {  	_ =	shalt  }
0x68: {  	_ =	shalt  }
0x69: {  	_ =	shalt  }
0x6a: {  	_ =	shalt  }
0x6b: {  	_ =	shalt  }
0x6c: {  	_ =	shalt  }
0x6d: {  	_ =	shalt  }
0x6e: {  	_ =	shalt  }
0x6f: {  	_ =	shalt  }
0x70: {  	_ =	shalt  }
0x71: {  	_ =	shalt  }
0x72: {  	_ =	shalt  }
0x73: {  	_ =	shalt  }
0x74: {  	_ =	shalt  }
0x75: {  	_ =	shalt  }
0x76: {  	_ =	shalt  }
0x77: {  	_ =	shalt  }
0x78: {  	_ =	shalt  }
0x79: {  	_ =	shalt  }
0x7a: {  	_ =	shalt  }
0x7b: {  	_ =	shalt  }
0x7c: {  	_ =	shalt  }
0x7d: {  	_ =	shalt  }
0x7e: {  	_ =	shalt  }
0x7f: {  	_ =	shalt  }
0x80: {  	_ =	shalt  }
0x81: {  	_ =	shalt  }
0x82: {  	_ =	shalt  }
0x83: {  	_ =	shalt  }
0x84: {  	_ =	shalt  }
0x85: {  	_ =	shalt  }
0x86: {  	_ =	shalt  }
0x87: {  	_ =	shalt  }
.Lfunc_end0:
.L_simem_size_0:
called_computation_lowered:
.L_overlay_start_0:
0x88: {  	s2 =	sld [smem:$0x3FD9]  }
0x89: {  	s3 =	sld [smem:$0x3FFE];
	_ =	sdelay $0x1  }
0x8a: {  	s1 =	srdreg.scid  }
0x8b: {  	s0 =	sand.u32 $0x1, s1  }
0x8c: {  	s16 =	sshll.u32 s0, $0xA;
	s2 =	sadd.s32 s3, s2  }
0x8d: {  	s2 =	sadd.s32 s2, s16  }
0x8e: {  	[smem:$0x3FC2] =	sst s2  }
0x8f: {  	_ = 	snop  }
0x90: {  	(tm) =	ssettm $0x1  }
0x91: {  	s17 =	sld [smem:$0x3FFB];
	_ =	sdelay $0x3  }
0x92: {  	_ =	strace s17  }
0x93: {  	s2 =	sld [smem:$0x3FFC];
	_ =	sdelay $0x3  }
0x94: {  	_ =	strace s2  }
0x95: {  	s2 =	sld [smem:$0x3FFD];
	_ =	sdelay $0x3  }
0x96: {  	_ =	strace s2  }
0x97: {  	_ =	strace $0x8FFFFFFF  }
0x98: {  	s18 =	sld [smem:$0x3FDB];
	_ =	sdelay $0x1  }
0x99: {  	s19 =	simm.s32 $_scs_section_size  }
0x9a: {  	s4 =	simm.s32 $_size__tile_overlayer_lowered;
	s5 =	simm.s32 $_tile_overlayer_lowered  }
0x9b: {  	s22 =	simm.s32 $0x1BFF;
	s21 =	sshll.u32 s5, $0x1;
	s2 =	sadd.s32 s19, s18  }
0x9c: {  	s6 =	simm.s32 $0x0;
	s20 =	sshll.u32 s4, $0x1;
	s4 =	sadd.s32 s21, s2  }
0x9d: {  	[timem:s6], [sflag:s22] =	dma.local [hbm:s4], s20  }
0x9e: {  	_ =	swait.ge [sflag:s22], s20  }
0x9f: {  	s3 =	ssub.s32 $0x0, s20;
	[sflag:s22] =	ssyncset.done $0x0  }
0xa0: {  	[sflag:s22] =	ssyncadd.s32 s3;
	_ =	sdelay $0x1  }
0xa1: {  	s23 =	simm.s32 $0x1B8B  }
0xa2: {  	_ =	swait.ge [sflag:s23], $0x1  }
0xa3: {  	[sflag:s23] =	ssyncset.done $0x0  }
0xa4: {  	s25 =	simm.s32 $0x1B8E;
	s24 =	sld [smem:$0x3FFE];
	[sflag:s23] =	ssyncadd.s32 $0xFFFFFFFF  }
0xa5: {  	s26 =	simm.s32 $execute0_lowered;
	[smem:$0x3FD2] =	sst s25  }
0xa6: {  	s4 =	sshll.u32 s26, $0x1;
	_ =	strace $0x80000046;
	[dreg:$0x1] =	wrdreg $0xFFFFFFFF  }
0xa7: {  	s28 =	simm.s32 $_size_execute0_lowered;
	s2 =	sadd.s32 s2, s4;
	[dreg:$0x0] =	wrdreg $0x0  }
0xa8: {  	s4 =	sshll.u32 s28, $0x1;
	[dreg:$0x2] =	wrdreg s2  }
0xa9: {  	[dreg:$0x3] =	wrdreg s4  }
0xaa: {  	[dreg:$0x4] =	wrdreg $0xC0  }
0xab: {  	_ =	task [dreg:s6], $0x5FFFF  }
0xac: {  	[dreg:$0x1] =	wrdreg $0xFFFFFFFF  }
0xad: {  	[dreg:$0x0] =	wrdreg $0x60  }
0xae: {  	[dreg:$0x2] =	wrdreg s24  }
0xaf: {  	[dreg:$0x3] =	wrdreg $0x9  }
0xb0: {  	_ =	task.clear_ibuf [dreg:s6], $0x4FFFF;
	_ =	strace $0x90000046  }
0xb1: {  	s29 =	simm.s32 $0x9;
	_ =	strace $0x80000048  }
0xb2: {  	_ =	swait.ge [sflag:s29], $0x1  }
0xb3: {  	[sflag:s29] =	ssyncadd.s32 $0xFFFFFFFF  }
0xb4: {  	_ =	strace $0x90000048  }
0xb5: {  	_ =	sfence  }
0xb6: {  	s30 =	sld [smem:$0x0];
	_ =	sdelay $0x2  }
0xb7: {  	s31 =	sshll.u32 s1, $0xD;
	s1 =	sshrl.u32 s1, $0x2  }
0xb8: {  	s3 =	sand.u32 $0x4000, s31;
	s1 =	sadd.s32 s1, s30  }
0xb9: {  	s0 =	sor.u32 s3, s0;
	s1 =	sshll.u32 s1, $0x11  }
0xba: {  	s0 =	sor.u32 s1, s0  }
0xbb: {  	s0 =	sadd.s32 $0x8F2B, s0  }
0xbc: {  	[sflag:s0] =	ssyncadd.remote.s32 $0x1  }
0xbd: {  	_ =	sfence.sel $0xFFFF  }
0xbe: {  	[dreg:$0x0] =	wrdreg $0xFFFFFFFF;
	(pc) =	sbr.abs _section_cstart, $3  }
0xbf: {  	[dreg:$0x1] =	wrdreg $0xFFFFFFFF  }
0xc0: {  	_ =	task.clear_ibuf [dreg:s6], $0x2FFFF;
	_ =	strace $0x9FFFFFFF  }
0xc1: {  	(tm) =	ssettm $0x7FFFFFFF  }
tec
execute0_lowered:
.L_overlay_start_1:
0x0: {  	(tag) =	ssettag $0x1  }
0x1: {  	s0 =	srdreg.scid  }
0x2: {  	s4 =	rddreg [dreg:$0x0];
	s2 =	simm.s32 $0x0;
	s10 =	simm.s32 $0x1  }
0x3: {  	s11 =	simm.s32 $0x800;
	s12 =	simm.s32 $0x80;
	s3 =	sand.u32 $0x1, s0  }
0x4: {  	s13 =	simm.s32 $0x400;
	s0 =	stileid.u32;
	s1 =	sshll.u32 s3, $0x4  }
0x5: {  	[smem:$0x7FF] =	sst s2;
	s7 =	sshll.u32 s0, $0x7;
	s5 =	sor.u32 s0, s1  }
0x6: {  	s3 =	ssub.s32 $0x2, s3;
	s6 =	sshrl.u32 s5, $0x3;
	s5 =	smul.u32 $0x2710, s5  }
0x7: {  	s1 =	rddreg [dreg:$0x1];
	s7 =	sand.u32 $0x380, s7;
	s6 =	smul.u32 $0x13C00, s6  }
0x8: {  	_ =	strace $0x80000047;
	s31 =	sshrl.u32 s3, $0x1;
	s5 =	sshrl.u32 s5, $0x3  }
0x9: {  	s6 =	sor.u32 s7, s6;
	s7 =	ssub.s32 s3, s31;
	s9 =	sadd.s32 s5, s4  }
0xa: {  	s6 =	sshrl.u32 s6, $0x3;
	s5 =	sadd.s32 $0xB200, s9;
	s8 =	sadd.s32 $0xB4EE, s9  }
0xb: {  	s6 =	sadd.s32 s6, s4;
	s4 =	smax.u32 s7, $0x1;
	s7 =	sadd.s32 $0xB3F4, s9  }
0xc: {  	v0 =	vimm.f32 $0.0e+00;
	v1 =	vimm.f32 $1.000000000e+00;
	s3 =	sadd.s32 $0x15000, s6;
	s6 =	sadd.s32 $0xB2FA, s9;
	s9 =	sadd.s32 $0xB5E8, s9  }
.LBB2_1:
0xd: {  	s14 =	simm.s32 $0x40;
	s15 =	simm.s32 $0x0  }
.LBB2_2:
0xe: {  	p0 =	sne.s32 s14, $0x9C40;
	[tilespmem:s15+$0x800] =	vst v0;
	s15 =	smov.u32 s14;
	s14 =	sadd.s32 $0x40, s14  }
.Ltmp0:
0xf: {  	(pc) =	sbr.rel @p0 .LBB2_2-.Ltmp0, $2  }
0x10: {  	_ =	sdelay $0x2  }
0x11: {  	s15 =	sshra.s32 s15, $0x2  }
0x12: {  	[tilespmem:s15+$0x800] =	vst v0;
	s14 =	simm.s32 $0x0  }
0x13: {  	[tilespmem:s14], [sflag:$0x1] =	stream.linear.gather [hbm4b:s5+s14], $0x7D0, $0x38;
	[tilespmem:$0x2F80] =	vst v63  }
0x14: {  	_ =	swait.ge [sflag:s10], $0x7D0  }
0x15: {  	[sflag:s10] =	ssyncset.done $0x0  }
0x16: {  	s15 =	simm.s32 $0x0;
	s14 =	simm.s32 $0x40;
	[sflag:s10] =	ssyncadd.s32 $0xFFFFF830  }
.LBB2_4:
0x17: {  	p0 =	sne.s32 s14, $0x1F00;
	v2 =	vld [tilespmem:s15+$0x0];
	_ =	sdelay $0x3  }
.Ltmp1:
0x18: {  	(pc) =	sbr.rel @p0 .LBB2_4-.Ltmp1, $2  }
0x19: {  	_ =	sdelay $0x2  }
0x1a: {  	s15 =	sshra.s32 s14, $0x2;
	s14 =	sadd.s32 $0x40, s14;
	[tilespmem:v2+s11+$0x0] =	vst.idx.add.f32.msk $0xffff, v1  }
0x1b: {  	v2 =	vld [tilespmem:s15+$0x0];
	_ =	sdelay $0x7  }
0x1c: {  	s14 =	simm.s32 $0x0;
	[tilespmem:v2+s11+$0x0] =	vst.idx.add.f32.msk $0xffff, v1  }
0x1d: {  	[tilespmem:s14], [sflag:$0x1] =	stream.linear.gather [hbm4b:s6+s14], $0x7D0, $0x38;
	[tilespmem:$0x2F80] =	vst v63  }
0x1e: {  	_ =	swait.ge [sflag:s10], $0x7D0  }
0x1f: {  	[sflag:s10] =	ssyncset.done $0x0  }
0x20: {  	s15 =	simm.s32 $0x0;
	s14 =	simm.s32 $0x40;
	[sflag:s10] =	ssyncadd.s32 $0xFFFFF830  }
.LBB2_6:
0x21: {  	p0 =	sne.s32 s14, $0x1F00;
	v2 =	vld [tilespmem:s15+$0x0];
	_ =	sdelay $0x3  }
.Ltmp2:
0x22: {  	(pc) =	sbr.rel @p0 .LBB2_6-.Ltmp2, $2  }
0x23: {  	_ =	sdelay $0x2  }
0x24: {  	s15 =	sshra.s32 s14, $0x2;
	s14 =	sadd.s32 $0x40, s14;
	[tilespmem:v2+s11+$0x0] =	vst.idx.add.f32.msk $0xffff, v1  }
0x25: {  	v2 =	vld [tilespmem:s15+$0x0];
	_ =	sdelay $0x7  }
0x26: {  	s14 =	simm.s32 $0x0;
	[tilespmem:v2+s11+$0x0] =	vst.idx.add.f32.msk $0xffff, v1  }
0x27: {  	[tilespmem:s14], [sflag:$0x1] =	stream.linear.gather [hbm4b:s7+s14], $0x7D0, $0x38;
	[tilespmem:$0x2F80] =	vst v63  }
0x28: {  	_ =	swait.ge [sflag:s10], $0x7D0  }
0x29: {  	[sflag:s10] =	ssyncset.done $0x0  }
0x2a: {  	s15 =	simm.s32 $0x0;
	s14 =	simm.s32 $0x40;
	[sflag:s10] =	ssyncadd.s32 $0xFFFFF830  }
.LBB2_8:
0x2b: {  	p0 =	sne.s32 s14, $0x1F00;
	v2 =	vld [tilespmem:s15+$0x0];
	_ =	sdelay $0x3  }
.Ltmp3:
0x2c: {  	(pc) =	sbr.rel @p0 .LBB2_8-.Ltmp3, $2  }
0x2d: {  	_ =	sdelay $0x2  }
0x2e: {  	s15 =	sshra.s32 s14, $0x2;
	s14 =	sadd.s32 $0x40, s14;
	[tilespmem:v2+s11+$0x0] =	vst.idx.add.f32.msk $0xffff, v1  }
0x2f: {  	v2 =	vld [tilespmem:s15+$0x0];
	_ =	sdelay $0x7  }
0x30: {  	s14 =	simm.s32 $0x0;
	[tilespmem:v2+s11+$0x0] =	vst.idx.add.f32.msk $0xffff, v1  }
0x31: {  	[tilespmem:s14], [sflag:$0x1] =	stream.linear.gather [hbm4b:s8+s14], $0x7D0, $0x38;
	[tilespmem:$0x2F80] =	vst v63  }
0x32: {  	_ =	swait.ge [sflag:s10], $0x7D0  }
0x33: {  	[sflag:s10] =	ssyncset.done $0x0  }
0x34: {  	s15 =	simm.s32 $0x0;
	s14 =	simm.s32 $0x40;
	[sflag:s10] =	ssyncadd.s32 $0xFFFFF830  }
.LBB2_10:
0x35: {  	p0 =	sne.s32 s14, $0x1F00;
	v2 =	vld [tilespmem:s15+$0x0];
	_ =	sdelay $0x3  }
.Ltmp4:
0x36: {  	(pc) =	sbr.rel @p0 .LBB2_10-.Ltmp4, $2  }
0x37: {  	_ =	sdelay $0x2  }
0x38: {  	s15 =	sshra.s32 s14, $0x2;
	s14 =	sadd.s32 $0x40, s14;
	[tilespmem:v2+s11+$0x0] =	vst.idx.add.f32.msk $0xffff, v1  }
0x39: {  	v2 =	vld [tilespmem:s15+$0x0];
	_ =	sdelay $0x7  }
0x3a: {  	s14 =	simm.s32 $0x0;
	[tilespmem:v2+s11+$0x0] =	vst.idx.add.f32.msk $0xffff, v1  }
0x3b: {  	[tilespmem:s14], [sflag:$0x1] =	stream.linear.gather [hbm4b:s9+s14], $0x7D0, $0x38;
	[tilespmem:$0x2F80] =	vst v63  }
0x3c: {  	_ =	swait.ge [sflag:s10], $0x7D0  }
0x3d: {  	[sflag:s10] =	ssyncset.done $0x0  }
0x3e: {  	s15 =	simm.s32 $0x0;
	s14 =	simm.s32 $0x40;
	[sflag:s10] =	ssyncadd.s32 $0xFFFFF830  }
.LBB2_12:
0x3f: {  	p0 =	sne.s32 s14, $0x1F00;
	v2 =	vld [tilespmem:s15+$0x0];
	_ =	sdelay $0x3  }
.Ltmp5:
0x40: {  	(pc) =	sbr.rel @p0 .LBB2_12-.Ltmp5, $2  }
0x41: {  	_ =	sdelay $0x2  }
0x42: {  	s15 =	sshra.s32 s14, $0x2;
	s14 =	sadd.s32 $0x40, s14;
	[tilespmem:v2+s11+$0x0] =	vst.idx.add.f32.msk $0xffff, v1  }
0x43: {  	v2 =	vld [tilespmem:s15+$0x0];
	_ =	sdelay $0x5  }
0x44: {  	s2 =	sadd.s32 $0x1, s2  }
0x45: {  	p0 =	sne.s32 s2, s4  }
.Ltmp6:
0x46: {  	[tilespmem:v2+s11+$0x0] =	vst.idx.add.f32.msk $0xffff, v1;
	(pc) =	sbr.rel @p0 .LBB2_1-.Ltmp6, $4  }
0x47: {  	[hbm4b:s3+s12] =	stream.strided.scatter [tilespmem:s11], [sflag:$0x1], $0x2780, s13, s12, $0x38;
	[tilespmem:$0x2F80] =	vst v63  }
0x48: {  	_ =	swait.ge [sflag:s10], $0x2780  }
0x49: {  	[sflag:s10] =	ssyncset.done $0x0  }
0x4a: {  	[sflag:s10] =	ssyncadd.s32 $0xFFFFD880  }
0x4b: {  	_ =	sfence.sel $0x180000  }
0x4c: {  	[bflag:$0x0] =	sbarrier.arrive $0xFFFF  }
0x4d: {  	p0 =	sne.s32 s0, $0x0;
	_ =	strace $0x90000047  }
0x4e: {  	s0 =	sadd.s32 @!p0 $0x100000, s1;
	[bflag:$0x2] =	sbarrier.arrive $0xFFFF  }
0x4f: {  	[sflag:s0] =	ssyncadd.tile.s32 @!p0 $0x1;
	_ =	shalt  }
.Lfunc_end2:
_tile_overlayer_lowered:
.L_overlay_start_2:
0x50: {  	(tag) =	ssettag $0x2  }
0x51: {  	s0 =	rddreg [dreg:$0x0];
	s2 =	stileid.u32  }
0x52: {  	s1 =	rddreg [dreg:$0x1];
	p0 =	sne.s32 s2, $0x0  }
0x53: {  	s3 =	rddreg [dreg:$0x2];
	[bflag:$0x3] =	sbarrier.arrive $0xFFFF;
	s2 =	simm.s32 @!p0 $0x1C01  }
0x54: {  	[timem:s3], [sflag:s2] =	dma.local @!p0 [hbm:s0], s1  }
0x55: {  	s0 =	simm.s32 @!p0 $0x1  }
0x56: {  	_ =	swait.ge @!p0 [sflag:s0], s1  }
0x57: {  	s1 =	ssub.s32 @!p0 $0x0, s1;
	[sflag:s0] =	ssyncset.done @!p0 $0x0  }
0x58: {  	[sflag:s0] =	ssyncadd.s32 @!p0 s1  }
0x59: {  	[bflag:$0x3] =	sbarrier.arrive $0xFFFF  }
0x5a: {  	_ =	shalt  }

</sc_bundles>
